<compile_context>
chip_gen: v7x
topology: tpu7x:2x2x1
jax: 0.10.2.dev20260603
libtpu: 0.0.44.dev20260713+nightly
codegen_flags: <defaults>
</compile_context>

<pallas_src>
import functools

import jax
import jax.numpy as jnp
from jax import lax
from jax.experimental import pallas as pl
from jax.experimental.pallas import tpu as pltpu
from jax.experimental.pallas import tpu_sc as plsc

S, B, D, H, FF, E = 2048, 1, 768, 12, 3072, 8
T = S * B
C = (2 * T) // E
HD = D // H
NW = 32
TPW = T // NW
EC = E * C
EC_PAD = EC + NW
QB = 512
AQB = 1024
RB = 512
FB = FF // 2

_INTERPRET = False



def _dot_nt(a, b):
    return lax.dot_general(a.astype(jnp.bfloat16), b.astype(jnp.bfloat16),
                           (((1,), (1,)), ((), ())),
                           preferred_element_type=jnp.float32)


def _dot_nn(a, b):
    return jnp.dot(a.astype(jnp.bfloat16), b.astype(jnp.bfloat16),
                   preferred_element_type=jnp.float32)


def _qkv_body(x_ref, w_ref, b_ref, o_ref):
    o_ref[...] = _dot_nt(x_ref[...], w_ref[...]) + b_ref[...]


def _qkv_proj(x2, w_qkv, b_qkv):
    return pl.pallas_call(
        _qkv_body,
        grid=(T // QB, 3),
        in_specs=[
            pl.BlockSpec((QB, D), lambda i, j: (i, 0)),
            pl.BlockSpec((D, D), lambda i, j: (j, 0)),
            pl.BlockSpec((1, D), lambda i, j: (0, j)),
        ],
        out_specs=pl.BlockSpec((QB, D), lambda i, j: (i, j)),
        out_shape=jax.ShapeDtypeStruct((T, 3 * D), jnp.float32),
        interpret=_INTERPRET,
    )(x2, w_qkv, b_qkv.reshape(1, 3 * D))



def _attn_body(q_ref, k_ref, v_ref, o_ref):
    q = q_ref[...].reshape(AQB, HD)
    k = k_ref[...].reshape(T, HD)
    s = _dot_nt(q, k) * (1.0 / 8.0)
    m = jnp.max(s, axis=-1, keepdims=True)
    p = jnp.exp(s - m)
    a = p / jnp.sum(p, axis=-1, keepdims=True)
    o = _dot_nn(a, v_ref[...].reshape(T, HD))
    o_ref[...] = o.reshape(AQB, 1, 1, HD)


def _attention(qkv4):
    return pl.pallas_call(
        _attn_body,
        grid=(H, T // AQB),
        in_specs=[
            pl.BlockSpec((AQB, 1, 1, HD), lambda h, i: (i, h, 0, 0)),
            pl.BlockSpec((T, 1, 1, HD), lambda h, i: (0, H + h, 0, 0)),
            pl.BlockSpec((T, 1, 1, HD), lambda h, i: (0, 2 * H + h, 0, 0)),
        ],
        out_specs=pl.BlockSpec((AQB, 1, 1, HD), lambda h, i: (i, h, 0, 0)),
        out_shape=jax.ShapeDtypeStruct((T, H, 1, HD), jnp.float32),
        interpret=_INTERPRET,
    )(qkv4, qkv4, qkv4)



def _ln1_body(attn_ref, wo_ref, bo_ref, x_ref, g_ref, b_ref, h1_ref):
    o = _dot_nt(attn_ref[...], wo_ref[...]) + bo_ref[...] + x_ref[...]
    m = jnp.mean(o, axis=-1, keepdims=True)
    zc = o - m
    v = jnp.mean(zc * zc, axis=-1, keepdims=True)
    h1_ref[...] = zc / jnp.sqrt(v + 1e-5) * g_ref[...] + b_ref[...]


def _route_body(h1_ref, gw_ref, gb_ref, dd_ref, dc_ref, keep_ref, oh_scr):
    logits = _dot_nn(h1_ref[...], gw_ref[...]) + gb_ref[...]
    lm = jnp.max(logits, axis=-1, keepdims=True)
    lane = lax.broadcasted_iota(jnp.int32, (T, 128), 1)
    eidx = jnp.min(jnp.where(logits == lm, lane, 128), axis=-1, keepdims=True)
    dd_ref[...] = eidx
    oh8 = (lax.broadcasted_iota(jnp.int32, (T, E), 1) == eidx)
    oh_scr[...] = oh8.astype(jnp.float32)

    rr = lax.broadcasted_iota(jnp.int32, (RB, RB), 0)
    cc = lax.broadcasted_iota(jnp.int32, (RB, RB), 1)
    tril = (rr > cc).astype(jnp.float32)

    def blk(i, cnts):
        start = pl.multiple_of(i * RB, RB)
        ohb = oh_scr[pl.ds(start, RB), :]
        posb = jnp.dot(tril, ohb, preferred_element_type=jnp.float32) + cnts
        pie = jnp.sum(posb * ohb, axis=-1, keepdims=True)
        eb = dd_ref[pl.ds(start, RB), :]
        keep = pie < float(C)
        slot = jnp.minimum(pie.astype(jnp.int32), C - 1)
        dslot = eb * C + slot
        tok = start + lax.broadcasted_iota(jnp.int32, (RB, 1), 0)
        dd_ref[pl.ds(start, RB), :] = jnp.where(keep, dslot, EC + tok // TPW)
        dc_ref[pl.ds(start, RB), :] = jnp.where(keep, dslot, 0)
        keep_ref[pl.ds(start, RB), :] = keep.astype(jnp.float32)
        return cnts + jnp.sum(ohb, axis=0, keepdims=True)

    lax.fori_loop(0, T // RB, blk, jnp.zeros((1, E), jnp.float32))


def _post_attn(attn, w_o, b_o, x2, ln1_g, ln1_b, gw_pad, gb_pad):
    h1 = pl.pallas_call(
        _ln1_body,
        out_shape=jax.ShapeDtypeStruct((T, D), jnp.float32),
        interpret=_INTERPRET,
    )(attn, w_o, b_o.reshape(1, D), x2, ln1_g.reshape(1, D),
      ln1_b.reshape(1, D))
    dd, dc, keepf = pl.pallas_call(
        _route_body,
        out_shape=(
            jax.ShapeDtypeStruct((T, 1), jnp.int32),
            jax.ShapeDtypeStruct((T, 1), jnp.int32),
            jax.ShapeDtypeStruct((T, 1), jnp.float32),
        ),
        scratch_shapes=[pltpu.VMEM((T, E), jnp.float32)],
        interpret=_INTERPRET,
    )(h1, gw_pad, gb_pad)
    return h1, dd, dc, keepf



def _sc_worker_id():
    return lax.axis_index("s") * 2 + lax.axis_index("c")


def _sc_dispatch_body(h1_hbm, dd_hbm, disp_hbm, idx_v, rows_v, sem):
    base = _sc_worker_id() * TPW
    pltpu.sync_copy(dd_hbm.at[pl.ds(base, TPW)], idx_v)
    pltpu.sync_copy(h1_hbm.at[pl.ds(base, TPW)], rows_v)
    pltpu.async_copy(rows_v, disp_hbm.at[idx_v], sem).wait()


def _sc_combine_body(o_hbm, dc_hbm, y_hbm, idx_v, rows_v, sem):
    base = _sc_worker_id() * TPW
    pltpu.sync_copy(dc_hbm.at[pl.ds(base, TPW)], idx_v)
    pltpu.async_copy(o_hbm.at[idx_v], rows_v, sem).wait()
    pltpu.sync_copy(rows_v, y_hbm.at[pl.ds(base, TPW)])


def _sc_call(body, out_rows):
    mesh = plsc.VectorSubcoreMesh(core_axis_name="c", subcore_axis_name="s",
                                  num_cores=2, num_subcores=16)
    return pl.kernel(
        body,
        out_type=jax.ShapeDtypeStruct((out_rows, D), jnp.float32),
        mesh=mesh,
        scratch_types=[
            pltpu.VMEM((TPW,), jnp.int32),
            pltpu.VMEM((TPW, D), jnp.float32),
            pltpu.SemaphoreType.DMA,
        ],
        interpret=_INTERPRET,
    )



def _erf(x):
    s = jnp.sign(x)
    a = jnp.abs(x)
    t = 1.0 / (1.0 + 0.3275911 * a)
    poly = t * (0.254829592 + t * (-0.284496736 + t * (1.421413741
               + t * (-1.453152027 + t * 1.061405429))))
    return s * (1.0 - poly * jnp.exp(-a * a))


def _gelu_exact(x):
    return 0.5 * x * (1.0 + _erf(x * 0.7071067811865476))


def _moe_body(d_ref, w1_ref, b1_ref, w2_ref, b2_ref, o_ref):
    fb = pl.program_id(1)
    h = _dot_nt(d_ref[...], w1_ref[0]) + b1_ref[0]
    h = _gelu_exact(h)
    part = _dot_nt(h, w2_ref[0])

    @pl.when(fb == 0)
    def _():
        o_ref[...] = part + b2_ref[0]

    @pl.when(fb != 0)
    def _():
        o_ref[...] += part


def _expert_mlp(disp, w1, b1, w2, b2):
    return pl.pallas_call(
        _moe_body,
        grid=(E, FF // FB),
        in_specs=[
            pl.BlockSpec((C, D), lambda e, f: (e, 0)),
            pl.BlockSpec((1, FB, D), lambda e, f: (e, f, 0)),
            pl.BlockSpec((1, 1, FB), lambda e, f: (e, 0, f)),
            pl.BlockSpec((1, D, FB), lambda e, f: (e, 0, f)),
            pl.BlockSpec((1, 1, D), lambda e, f: (e, 0, 0)),
        ],
        out_specs=pl.BlockSpec((C, D), lambda e, f: (e, 0)),
        out_shape=jax.ShapeDtypeStruct((EC, D), jnp.float32),
        interpret=_INTERPRET,
    )(disp, w1, b1.reshape(E, 1, FF), w2, b2.reshape(E, 1, D))



def _final_body(y_ref, k_ref, h1_ref, g_ref, b_ref, o_ref):
    z = h1_ref[...] + y_ref[...] * k_ref[...]
    m = jnp.mean(z, axis=-1, keepdims=True)
    zc = z - m
    v = jnp.mean(zc * zc, axis=-1, keepdims=True)
    o_ref[...] = zc / jnp.sqrt(v + 1e-5) * g_ref[...] + b_ref[...]


def _final(y, keepf, h1, ln2_g, ln2_b):
    return pl.pallas_call(
        _final_body,
        grid=(T // QB,),
        in_specs=[
            pl.BlockSpec((QB, D), lambda i: (i, 0)),
            pl.BlockSpec((QB, 1), lambda i: (i, 0)),
            pl.BlockSpec((QB, D), lambda i: (i, 0)),
            pl.BlockSpec((1, D), lambda i: (0, 0)),
            pl.BlockSpec((1, D), lambda i: (0, 0)),
        ],
        out_specs=pl.BlockSpec((QB, D), lambda i: (i, 0)),
        out_shape=jax.ShapeDtypeStruct((T, D), jnp.float32),
        interpret=_INTERPRET,
    )(y, keepf, h1, ln2_g.reshape(1, D), ln2_b.reshape(1, D))


def kernel(x, w_qkv, b_qkv, w_o, b_o, ln1_g, ln1_b, ln2_g, ln2_b,
           gate_w, gate_b, w1, b1, w2, b2):
    x2 = x.reshape(T, D)
    gw_pad = jnp.pad(gate_w.T, ((0, 0), (0, 128 - E)))
    gb_pad = jnp.concatenate(
        [gate_b, jnp.full((128 - E,), -1e30, jnp.float32)]).reshape(1, 128)
    qkv = _qkv_proj(x2, w_qkv, b_qkv)
    attn4 = _attention(qkv.reshape(T, 3 * H, 1, HD))
    attn = attn4.reshape(T, D)
    h1, dd, dc, keepf = _post_attn(attn, w_o, b_o, x2, ln1_g, ln1_b,
                                   gw_pad, gb_pad)

    disp = _sc_call(_sc_dispatch_body, EC_PAD)(h1, dd.reshape(T))
    moe = _expert_mlp(disp, w1, b1, w2, b2)
    y = _sc_call(_sc_combine_body, T)(moe, dc.reshape(T))

    out = _final(y, keepf, h1, ln2_g, ln2_b)
    return out.reshape(S, B, D)

# --- scband reference (transcript-rebuilt; emitter-appended) ---
"""Pipeline reference for scband-switch-transformer-encoder-layer-90477781057908 (READ-ONLY COPY).

The authoritative reference and input builder live on the scoring server;
editing this copy changes nothing except your own understanding.
"""

import jax, jax.numpy as jnp
import numpy as np

S, B, D, H, FF, E, TOPK = 2048, 1, 768, 12, 3072, 8, 1
T = S * B
C = (2 * T) // E  # capacity factor 2.0


def setup_inputs(seed: int = 0) -> dict:
    key = jax.random.key(seed)
    ks = jax.random.split(key, 8)
    def n(k, shape, s=0.02):
        return jax.random.normal(k, shape, dtype=jnp.float32) * s
    return {
        'x': jax.random.normal(ks[0], (S, B, D), dtype=jnp.float32),
        'w_qkv': n(ks[1], (3 * D, D)),
        'b_qkv': jnp.zeros((3 * D,), jnp.float32),
        'w_o': n(ks[2], (D, D)),
        'b_o': jnp.zeros((D,), jnp.float32),
        'ln1_g': jnp.ones((D,), jnp.float32),
        'ln1_b': jnp.zeros((D,), jnp.float32),
        'ln2_g': jnp.ones((D,), jnp.float32),
        'ln2_b': jnp.zeros((D,), jnp.float32),
        'gate_w': n(ks[3], (E, D)),
        'gate_b': jnp.zeros((E,), jnp.float32),
        'w1': n(ks[4], (E, FF, D)),
        'b1': jnp.zeros((E, FF), jnp.float32),
        'w2': n(ks[5], (E, D, FF)),
        'b2': jnp.zeros((E, D), jnp.float32),
    }


def _ln(x, g, b, eps=1e-5):
    m = x.mean(-1, keepdims=True)
    v = ((x - m) ** 2).mean(-1, keepdims=True)
    return (x - m) / jnp.sqrt(v + eps) * g + b


def _attn(x, w_qkv, b_qkv, w_o, b_o):
    # torch MultiheadAttention, batch_first=False, input [S, B, D]
    qkv = x @ w_qkv.T + b_qkv
    q, k, v = jnp.split(qkv, 3, axis=-1)
    hd = D // H
    def sh(t):
        return t.reshape(S, B, H, hd).transpose(1, 2, 0, 3)
    q, k, v = sh(q), sh(k), sh(v)
    a = jax.nn.softmax((q @ k.transpose(0, 1, 3, 2)) / jnp.sqrt(float(hd)), axis=-1)
    o = (a @ v).transpose(2, 0, 1, 3).reshape(S, B, D)
    return o @ w_o.T + b_o


def _moe(x, gate_w, gate_b, w1, b1, w2, b2):
    # FMoE NaiveGate top-1 + capacity-based dispatch (Switch-style)
    x2 = x.reshape(T, D)
    logits = x2 @ gate_w.T + gate_b
    top_val, top_idx = jax.lax.top_k(logits, TOPK)
    score = jax.nn.softmax(top_val, axis=-1)[:, 0]  # == 1.0 for top-1
    eidx = top_idx[:, 0]
    oh = jax.nn.one_hot(eidx, E, dtype=jnp.float32)
    pos = (jnp.cumsum(oh, axis=0) - 1.0) * oh
    pie = pos.sum(axis=1).astype(jnp.int32)
    keep = (pie < C).astype(jnp.float32)
    slot = jnp.clip(pie, 0, C - 1)
    disp = jnp.zeros((E, C, D), jnp.float32).at[eidx, slot].add(x2 * keep[:, None])
    h = jnp.einsum('ecd,efd->ecf', disp, w1) + b1[:, None, :]
    h = jax.nn.gelu(h, approximate=False)
    o = jnp.einsum('ecf,edf->ecd', h, w2) + b2[:, None, :]
    y = o[eidx, slot] * keep[:, None] * score[:, None]
    return y.reshape(S, B, D)


def reference(x, w_qkv, b_qkv, w_o, b_o, ln1_g, ln1_b, ln2_g, ln2_b, gate_w, gate_b, w1, b1, w2, b2):
    x = _ln(x + _attn(x, w_qkv, b_qkv, w_o, b_o), ln1_g, ln1_b)
    x = _ln(x + _moe(x, gate_w, gate_b, w1, b1, w2, b2), ln2_g, ln2_b)
    return x

if __name__ == "__main__":
    import jax
    _d = setup_inputs()
    print(jax.jit(kernel)(*tuple(_d.values())))

</pallas_src>

<mosaic_0001>
#map = affine_map<(d0, d1) -> (0, 0)>
#map1 = affine_map<(d0, d1) -> (0)>
module attributes {stable_mosaic.version = 14 : i64} {
  func.func @_sc_combine_body(%arg0: i32, %arg1: i32, %arg2: memref<4096x768xf32, #tpu.memory_space<hbm>>, %arg3: memref<2048xi32, #tpu.memory_space<hbm>>, %arg4: memref<2048x768xf32, #tpu.memory_space<hbm>>, %arg5: memref<64xi32, #tpu.memory_space<vmem>>, %arg6: memref<64x768xf32, #tpu.memory_space<vmem>>, %arg7: memref<!tpu.dma_semaphore, #tpu.memory_space<semaphore_mem>>) attributes {dimension_semantics = [#tpu.dimension_semantics<core_parallel>, #tpu.dimension_semantics<subcore_parallel>], iteration_bounds = array<i64: 2, 16>, scalar_prefetch = 0 : i64, scratch_operands = 3 : i64, tpu.core_type = #tpu.core_type<sc_vector_subcore>, window_params = [{transform_indices = #map}, {transform_indices = #map1}, {transform_indices = #map}]} {
    %mul3A = arith.constant 2 : i32
    %mul3A_0 = arith.muli %arg1, %mul3A : i32
    %add3A = arith.addi %mul3A_0, %arg0 : i32
    %mul3A_1 = arith.constant 64 : i32
    %mul3A_2 = arith.muli %add3A, %mul3A_1 : i32
    "tpu.region"() ({
      %run_scoped3A = tpu.sem_alloc : memref<!tpu.dma_semaphore, #tpu.memory_space<semaphore_mem>>
      %dma_start3A_7 = tpu.memref_slice %arg3[%mul3A_2] : memref<2048xi32, #tpu.memory_space<hbm>> -> memref<64xi32, #tpu.memory_space<hbm>>
      %dma_start3A_8 = tpu.memref_slice %arg3[%mul3A_2] : memref<2048xi32, #tpu.memory_space<hbm>> -> memref<64xi32, #tpu.memory_space<hbm>>
      tpu.enqueue_dma source(%dma_start3A_8 : memref<64xi32, #tpu.memory_space<hbm>>) target(%arg5 : memref<64xi32, #tpu.memory_space<vmem>>) target_semaphore(%run_scoped3A : memref<!tpu.dma_semaphore, #tpu.memory_space<semaphore_mem>>)
      %dma_wait3A_9 = tpu.memref_slice %arg3[%mul3A_2] : memref<2048xi32, #tpu.memory_space<hbm>> -> memref<64xi32, #tpu.memory_space<hbm>>
      %dma_wait3A_10 = tpu.memref_slice %arg3[%mul3A_2] : memref<2048xi32, #tpu.memory_space<hbm>> -> memref<64xi32, #tpu.memory_space<hbm>>
      tpu.wait_dma2 semaphore(%run_scoped3A : memref<!tpu.dma_semaphore, #tpu.memory_space<semaphore_mem>>) src(%dma_wait3A_10 : memref<64xi32, #tpu.memory_space<hbm>>) dst(%arg5 : memref<64xi32, #tpu.memory_space<vmem>>)
      tpu.yield
    }) : () -> ()
    %dma_start3A = arith.constant 0 : i32
    %dma_start3A_3 = arith.constant 0 : i32
    %dma_start3A_4 = tpu.memref_slice %arg2[%dma_start3A, %dma_start3A_3] : memref<4096x768xf32, #tpu.memory_space<hbm>> -> memref<4096x768xf32, #tpu.memory_space<hbm>>
    tpu.enqueue_indirect_dma source(%dma_start3A_4 : memref<4096x768xf32, #tpu.memory_space<hbm>>) target(%arg6 : memref<64x768xf32, #tpu.memory_space<vmem>>) offsets(%arg5 : memref<64xi32, #tpu.memory_space<vmem>>) semaphore(%arg7 : memref<!tpu.dma_semaphore, #tpu.memory_space<semaphore_mem>>)
    %dma_wait3A = arith.constant 0 : i32
    %dma_wait3A_5 = arith.constant 0 : i32
    %dma_wait3A_6 = tpu.memref_slice %arg2[%dma_wait3A, %dma_wait3A_5] : memref<4096x768xf32, #tpu.memory_space<hbm>> -> memref<4096x768xf32, #tpu.memory_space<hbm>>
    tpu.wait_indirect_dma semaphore(%arg7 : memref<!tpu.dma_semaphore, #tpu.memory_space<semaphore_mem>>) src(%dma_wait3A_6 : memref<4096x768xf32, #tpu.memory_space<hbm>>) dst(%arg6 : memref<64x768xf32, #tpu.memory_space<vmem>>)
    "tpu.region"() ({
      %run_scoped3A = tpu.sem_alloc : memref<!tpu.dma_semaphore, #tpu.memory_space<semaphore_mem>>
      %dma_start3A_7 = arith.constant 0 : i32
      %dma_start3A_8 = tpu.memref_slice %arg4[%mul3A_2, %dma_start3A_7] : memref<2048x768xf32, #tpu.memory_space<hbm>> -> memref<64x768xf32, #tpu.memory_space<hbm>>
      %dma_start3A_9 = arith.constant 0 : i32
      %dma_start3A_10 = tpu.memref_slice %arg4[%mul3A_2, %dma_start3A_9] : memref<2048x768xf32, #tpu.memory_space<hbm>> -> memref<64x768xf32, #tpu.memory_space<hbm>>
      tpu.enqueue_dma source(%arg6 : memref<64x768xf32, #tpu.memory_space<vmem>>) target(%dma_start3A_10 : memref<64x768xf32, #tpu.memory_space<hbm>>) target_semaphore(%run_scoped3A : memref<!tpu.dma_semaphore, #tpu.memory_space<semaphore_mem>>)
      %dma_wait3A_11 = arith.constant 0 : i32
      %dma_wait3A_12 = tpu.memref_slice %arg4[%mul3A_2, %dma_wait3A_11] : memref<2048x768xf32, #tpu.memory_space<hbm>> -> memref<64x768xf32, #tpu.memory_space<hbm>>
      %dma_wait3A_13 = arith.constant 0 : i32
      %dma_wait3A_14 = tpu.memref_slice %arg4[%mul3A_2, %dma_wait3A_13] : memref<2048x768xf32, #tpu.memory_space<hbm>> -> memref<64x768xf32, #tpu.memory_space<hbm>>
      tpu.wait_dma2 semaphore(%run_scoped3A : memref<!tpu.dma_semaphore, #tpu.memory_space<semaphore_mem>>) src(%arg6 : memref<64x768xf32, #tpu.memory_space<vmem>>) dst(%dma_wait3A_14 : memref<64x768xf32, #tpu.memory_space<hbm>>)
      tpu.yield
    }) : () -> ()
    return
  }
}

#map = affine_map<(d0, d1) -> (0, 0)>
#map1 = affine_map<(d0, d1) -> (0)>
module attributes {stable_mosaic.version = 14 : i64} {
  func.func @_sc_dispatch_body(%arg0: i32, %arg1: i32, %arg2: memref<2048x768xf32, #tpu.memory_space<hbm>>, %arg3: memref<2048xi32, #tpu.memory_space<hbm>>, %arg4: memref<4128x768xf32, #tpu.memory_space<hbm>>, %arg5: memref<64xi32, #tpu.memory_space<vmem>>, %arg6: memref<64x768xf32, #tpu.memory_space<vmem>>, %arg7: memref<!tpu.dma_semaphore, #tpu.memory_space<semaphore_mem>>) attributes {dimension_semantics = [#tpu.dimension_semantics<core_parallel>, #tpu.dimension_semantics<subcore_parallel>], iteration_bounds = array<i64: 2, 16>, scalar_prefetch = 0 : i64, scratch_operands = 3 : i64, tpu.core_type = #tpu.core_type<sc_vector_subcore>, window_params = [{transform_indices = #map}, {transform_indices = #map1}, {transform_indices = #map}]} {
    %mul3A = arith.constant 2 : i32
    %mul3A_0 = arith.muli %arg1, %mul3A : i32
    %add3A = arith.addi %mul3A_0, %arg0 : i32
    %mul3A_1 = arith.constant 64 : i32
    %mul3A_2 = arith.muli %add3A, %mul3A_1 : i32
    "tpu.region"() ({
      %run_scoped3A = tpu.sem_alloc : memref<!tpu.dma_semaphore, #tpu.memory_space<semaphore_mem>>
      %dma_start3A_7 = tpu.memref_slice %arg3[%mul3A_2] : memref<2048xi32, #tpu.memory_space<hbm>> -> memref<64xi32, #tpu.memory_space<hbm>>
      %dma_start3A_8 = tpu.memref_slice %arg3[%mul3A_2] : memref<2048xi32, #tpu.memory_space<hbm>> -> memref<64xi32, #tpu.memory_space<hbm>>
      tpu.enqueue_dma source(%dma_start3A_8 : memref<64xi32, #tpu.memory_space<hbm>>) target(%arg5 : memref<64xi32, #tpu.memory_space<vmem>>) target_semaphore(%run_scoped3A : memref<!tpu.dma_semaphore, #tpu.memory_space<semaphore_mem>>)
      %dma_wait3A_9 = tpu.memref_slice %arg3[%mul3A_2] : memref<2048xi32, #tpu.memory_space<hbm>> -> memref<64xi32, #tpu.memory_space<hbm>>
      %dma_wait3A_10 = tpu.memref_slice %arg3[%mul3A_2] : memref<2048xi32, #tpu.memory_space<hbm>> -> memref<64xi32, #tpu.memory_space<hbm>>
      tpu.wait_dma2 semaphore(%run_scoped3A : memref<!tpu.dma_semaphore, #tpu.memory_space<semaphore_mem>>) src(%dma_wait3A_10 : memref<64xi32, #tpu.memory_space<hbm>>) dst(%arg5 : memref<64xi32, #tpu.memory_space<vmem>>)
      tpu.yield
    }) : () -> ()
    "tpu.region"() ({
      %run_scoped3A = tpu.sem_alloc : memref<!tpu.dma_semaphore, #tpu.memory_space<semaphore_mem>>
      %dma_start3A_7 = arith.constant 0 : i32
      %dma_start3A_8 = tpu.memref_slice %arg2[%mul3A_2, %dma_start3A_7] : memref<2048x768xf32, #tpu.memory_space<hbm>> -> memref<64x768xf32, #tpu.memory_space<hbm>>
      %dma_start3A_9 = arith.constant 0 : i32
      %dma_start3A_10 = tpu.memref_slice %arg2[%mul3A_2, %dma_start3A_9] : memref<2048x768xf32, #tpu.memory_space<hbm>> -> memref<64x768xf32, #tpu.memory_space<hbm>>
      tpu.enqueue_dma source(%dma_start3A_10 : memref<64x768xf32, #tpu.memory_space<hbm>>) target(%arg6 : memref<64x768xf32, #tpu.memory_space<vmem>>) target_semaphore(%run_scoped3A : memref<!tpu.dma_semaphore, #tpu.memory_space<semaphore_mem>>)
      %dma_wait3A_11 = arith.constant 0 : i32
      %dma_wait3A_12 = tpu.memref_slice %arg2[%mul3A_2, %dma_wait3A_11] : memref<2048x768xf32, #tpu.memory_space<hbm>> -> memref<64x768xf32, #tpu.memory_space<hbm>>
      %dma_wait3A_13 = arith.constant 0 : i32
      %dma_wait3A_14 = tpu.memref_slice %arg2[%mul3A_2, %dma_wait3A_13] : memref<2048x768xf32, #tpu.memory_space<hbm>> -> memref<64x768xf32, #tpu.memory_space<hbm>>
      tpu.wait_dma2 semaphore(%run_scoped3A : memref<!tpu.dma_semaphore, #tpu.memory_space<semaphore_mem>>) src(%dma_wait3A_14 : memref<64x768xf32, #tpu.memory_space<hbm>>) dst(%arg6 : memref<64x768xf32, #tpu.memory_space<vmem>>)
      tpu.yield
    }) : () -> ()
    %dma_start3A = arith.constant 0 : i32
    %dma_start3A_3 = arith.constant 0 : i32
    %dma_start3A_4 = tpu.memref_slice %arg4[%dma_start3A, %dma_start3A_3] : memref<4128x768xf32, #tpu.memory_space<hbm>> -> memref<4128x768xf32, #tpu.memory_space<hbm>>
    tpu.enqueue_indirect_dma source(%arg6 : memref<64x768xf32, #tpu.memory_space<vmem>>) target(%dma_start3A_4 : memref<4128x768xf32, #tpu.memory_space<hbm>>) offsets(%arg5 : memref<64xi32, #tpu.memory_space<vmem>>) semaphore(%arg7 : memref<!tpu.dma_semaphore, #tpu.memory_space<semaphore_mem>>)
    %dma_wait3A = arith.constant 0 : i32
    %dma_wait3A_5 = arith.constant 0 : i32
    %dma_wait3A_6 = tpu.memref_slice %arg4[%dma_wait3A, %dma_wait3A_5] : memref<4128x768xf32, #tpu.memory_space<hbm>> -> memref<4128x768xf32, #tpu.memory_space<hbm>>
    tpu.wait_indirect_dma semaphore(%arg7 : memref<!tpu.dma_semaphore, #tpu.memory_space<semaphore_mem>>) src(%arg6 : memref<64x768xf32, #tpu.memory_space<vmem>>) dst(%dma_wait3A_6 : memref<4128x768xf32, #tpu.memory_space<hbm>>)
    return
  }
}

module attributes {stable_mosaic.version = 14 : i64} {
  func.func @_qkv_body(%arg0: i32, %arg1: i32, %arg2: memref<512x768xf32, #tpu.memory_space<vmem>>, %arg3: memref<768x768xf32, #tpu.memory_space<vmem>>, %arg4: memref<1x768xf32, #tpu.memory_space<vmem>>, %arg5: memref<512x768xf32, #tpu.memory_space<vmem>>) attributes {dimension_semantics = [#tpu.dimension_semantics<arbitrary>, #tpu.dimension_semantics<arbitrary>], iteration_bounds = array<i64: 4, 3>, scalar_prefetch = 0 : i64, scratch_operands = 0 : i64, tpu.core_type = #tpu.core_type<tc>, window_params = [{transform_indices = @transform_0, window_bounds = array<i64: 512, 768>}, {transform_indices = @transform_1, window_bounds = array<i64: 768, 768>}, {transform_indices = @transform_2, window_bounds = array<i64: 1, 768>}, {transform_indices = @transform_3, window_bounds = array<i64: 512, 768>}]} {
    %get3A = arith.constant 0 : index
    %get3A_0 = arith.constant 0 : index
    %get3A_1 = vector.load %arg2[%get3A, %get3A_0] : memref<512x768xf32, #tpu.memory_space<vmem>>, vector<512x768xf32>
    %get3A_2 = arith.constant 0 : index
    %get3A_3 = arith.constant 0 : index
    %get3A_4 = vector.load %arg3[%get3A_2, %get3A_3] : memref<768x768xf32, #tpu.memory_space<vmem>>, vector<768x768xf32>
    %convert_element_type3A = arith.truncf %get3A_1 : vector<512x768xf32> to vector<512x768xbf16>
    %convert_element_type3A_5 = arith.truncf %get3A_4 : vector<768x768xf32> to vector<768x768xbf16>
    %dot_general3A = arith.constant dense<0.000000e+00> : vector<512x768xf32>
    %dot_general3A_6 = tpu.matmul %convert_element_type3A, %convert_element_type3A_5, %dot_general3A {dimension_numbers = #tpu.dot_dimension_numbers<[1], [1], [0], [0], [0, 0, 1, 0], [], []>, transpose_lhs_hint = false} : vector<512x768xbf16>, vector<768x768xbf16>, vector<512x768xf32> -> vector<512x768xf32>
    %get3A_7 = arith.constant 0 : index
    %get3A_8 = arith.constant 0 : index
    %get3A_9 = vector.load %arg4[%get3A_7, %get3A_8] : memref<1x768xf32, #tpu.memory_space<vmem>>, vector<1x768xf32>
    %add3A = vector.broadcast %get3A_9 : vector<1x768xf32> to vector<512x768xf32>
    %add3A_10 = arith.addf %dot_general3A_6, %add3A : vector<512x768xf32>
    %swap3A = arith.constant 0 : index
    %swap3A_11 = arith.constant 0 : index
    %swap3A_12 = vector.load %arg5[%swap3A, %swap3A_11] : memref<512x768xf32, #tpu.memory_space<vmem>>, vector<512x768xf32>
    tpu.vector_store %arg5[%swap3A, %swap3A_11], %add3A_10 {strides = array<i32>} : memref<512x768xf32, #tpu.memory_space<vmem>>, vector<512x768xf32>,
    return
  }
  func.func @transform_0(%arg0: i32, %arg1: i32) -> (i32, i32) {
    %c0_i32 = arith.constant 0 : i32
    %c0_i32_0 = arith.constant 0 : i32
    return %arg0, %c0_i32 : i32, i32
  }
  func.func @transform_1(%arg0: i32, %arg1: i32) -> (i32, i32) {
    %c0_i32 = arith.constant 0 : i32
    %c0_i32_0 = arith.constant 0 : i32
    return %arg1, %c0_i32 : i32, i32
  }
  func.func @transform_2(%arg0: i32, %arg1: i32) -> (i32, i32) {
    %c0_i32 = arith.constant 0 : i32
    %c0_i32_0 = arith.constant 0 : i32
    return %c0_i32, %arg1 : i32, i32
  }
  func.func @transform_3(%arg0: i32, %arg1: i32) -> (i32, i32) {
    %c0_i32 = arith.constant 0 : i32
    return %arg0, %arg1 : i32, i32
  }
}

module attributes {stable_mosaic.version = 14 : i64} {
  func.func @_attn_body(%arg0: i32, %arg1: i32, %arg2: memref<1024x1x1x64xf32, #tpu.memory_space<vmem>>, %arg3: memref<2048x1x1x64xf32, #tpu.memory_space<vmem>>, %arg4: memref<2048x1x1x64xf32, #tpu.memory_space<vmem>>, %arg5: memref<1024x1x1x64xf32, #tpu.memory_space<vmem>>) attributes {dimension_semantics = [#tpu.dimension_semantics<arbitrary>, #tpu.dimension_semantics<arbitrary>], iteration_bounds = array<i64: 12, 2>, scalar_prefetch = 0 : i64, scratch_operands = 0 : i64, tpu.core_type = #tpu.core_type<tc>, window_params = [{transform_indices = @transform_0, window_bounds = array<i64: 1024, 1, 1, 64>}, {transform_indices = @transform_1, window_bounds = array<i64: 2048, 1, 1, 64>}, {transform_indices = @transform_2, window_bounds = array<i64: 2048, 1, 1, 64>}, {transform_indices = @transform_3, window_bounds = array<i64: 1024, 1, 1, 64>}]} {
    %get3A = arith.constant 0 : index
    %get3A_0 = arith.constant 0 : index
    %get3A_1 = arith.constant 0 : index
    %get3A_2 = arith.constant 0 : index
    %get3A_3 = vector.load %arg2[%get3A, %get3A_0, %get3A_1, %get3A_2] : memref<1024x1x1x64xf32, #tpu.memory_space<vmem>>, vector<1024x1x1x64xf32>
    %reshape3A = vector.shape_cast %get3A_3 : vector<1024x1x1x64xf32> to vector<1024x64xf32>
    %get3A_4 = arith.constant 0 : index
    %get3A_5 = arith.constant 0 : index
    %get3A_6 = arith.constant 0 : index
    %get3A_7 = arith.constant 0 : index
    %get3A_8 = vector.load %arg3[%get3A_4, %get3A_5, %get3A_6, %get3A_7] : memref<2048x1x1x64xf32, #tpu.memory_space<vmem>>, vector<2048x1x1x64xf32>
    %reshape3A_9 = vector.shape_cast %get3A_8 : vector<2048x1x1x64xf32> to vector<2048x64xf32>
    %convert_element_type3A = arith.truncf %reshape3A : vector<1024x64xf32> to vector<1024x64xbf16>
    %convert_element_type3A_10 = arith.truncf %reshape3A_9 : vector<2048x64xf32> to vector<2048x64xbf16>
    %dot_general3A = arith.constant dense<0.000000e+00> : vector<1024x2048xf32>
    %dot_general3A_11 = tpu.matmul %convert_element_type3A, %convert_element_type3A_10, %dot_general3A {dimension_numbers = #tpu.dot_dimension_numbers<[1], [1], [0], [0], [0, 0, 1, 0], [], []>, transpose_lhs_hint = false} : vector<1024x64xbf16>, vector<2048x64xbf16>, vector<1024x2048xf32> -> vector<1024x2048xf32>
    %mul3A = arith.constant 1.250000e-01 : f32
    %mul3A_12 = vector.broadcast %mul3A : f32 to vector<1024x2048xf32>
    %mul3A_13 = arith.mulf %dot_general3A_11, %mul3A_12 : vector<1024x2048xf32>
    %reduce_max3A = arith.constant dense<0xFF800000> : vector<1024xf32>
    %reduce_max3A_14 = vector.multi_reduction <maximumf>, %mul3A_13, %reduce_max3A [1] : vector<1024x2048xf32> to vector<1024xf32>
    %broadcast_in_dim3A = vector.shape_cast %reduce_max3A_14 : vector<1024xf32> to vector<1024x1xf32>
    %sub3A = vector.broadcast %broadcast_in_dim3A : vector<1024x1xf32> to vector<1024x2048xf32>
    %sub3A_15 = arith.subf %mul3A_13, %sub3A : vector<1024x2048xf32>
    %exp3A = math.exp %sub3A_15 : vector<1024x2048xf32>
    %reduce_sum3A = arith.constant dense<0.000000e+00> : vector<1024xf32>
    %reduce_sum3A_16 = vector.multi_reduction <add>, %exp3A, %reduce_sum3A [1] : vector<1024x2048xf32> to vector<1024xf32>
    %broadcast_in_dim3A_17 = vector.shape_cast %reduce_sum3A_16 : vector<1024xf32> to vector<1024x1xf32>
    %div3A = vector.broadcast %broadcast_in_dim3A_17 : vector<1024x1xf32> to vector<1024x2048xf32>
    %div3A_18 = arith.divf %exp3A, %div3A : vector<1024x2048xf32>
    %get3A_19 = arith.constant 0 : index
    %get3A_20 = arith.constant 0 : index
    %get3A_21 = arith.constant 0 : index
    %get3A_22 = arith.constant 0 : index
    %get3A_23 = vector.load %arg4[%get3A_19, %get3A_20, %get3A_21, %get3A_22] : memref<2048x1x1x64xf32, #tpu.memory_space<vmem>>, vector<2048x1x1x64xf32>
    %reshape3A_24 = vector.shape_cast %get3A_23 : vector<2048x1x1x64xf32> to vector<2048x64xf32>
    %convert_element_type3A_25 = arith.truncf %div3A_18 : vector<1024x2048xf32> to vector<1024x2048xbf16>
    %convert_element_type3A_26 = arith.truncf %reshape3A_24 : vector<2048x64xf32> to vector<2048x64xbf16>
    %dot_general3A_27 = arith.constant dense<0.000000e+00> : vector<1024x64xf32>
    %dot_general3A_28 = tpu.matmul %convert_element_type3A_25, %convert_element_type3A_26, %dot_general3A_27 {dimension_numbers = #tpu.dot_dimension_numbers<[1], [0], [0], [1], [0, 0, 1, 1], [], []>, transpose_lhs_hint = false} : vector<1024x2048xbf16>, vector<2048x64xbf16>, vector<1024x64xf32> -> vector<1024x64xf32>
    %reshape3A_29 = vector.shape_cast %dot_general3A_28 : vector<1024x64xf32> to vector<1024x1x1x64xf32>
    %swap3A = arith.constant 0 : index
    %swap3A_30 = arith.constant 0 : index
    %swap3A_31 = arith.constant 0 : index
    %swap3A_32 = arith.constant 0 : index
    %swap3A_33 = vector.load %arg5[%swap3A, %swap3A_30, %swap3A_31, %swap3A_32] : memref<1024x1x1x64xf32, #tpu.memory_space<vmem>>, vector<1024x1x1x64xf32>
    tpu.vector_store %arg5[%swap3A, %swap3A_30, %swap3A_31, %swap3A_32], %reshape3A_29 {strides = array<i32>} : memref<1024x1x1x64xf32, #tpu.memory_space<vmem>>, vector<1024x1x1x64xf32>,
    return
  }
  func.func @transform_0(%arg0: i32, %arg1: i32) -> (i32, i32, i32, i32) {
    %c0_i32 = arith.constant 0 : i32
    %c0_i32_0 = arith.constant 0 : i32
    %c0_i32_1 = arith.constant 0 : i32
    return %arg1, %arg0, %c0_i32, %c0_i32_0 : i32, i32, i32, i32
  }
  func.func @transform_1(%arg0: i32, %arg1: i32) -> (i32, i32, i32, i32) {
    %add3A = arith.constant 12 : i32
    %add3A_0 = arith.addi %add3A, %arg0 : i32
    %c0_i32 = arith.constant 0 : i32
    %c0_i32_1 = arith.constant 0 : i32
    %c0_i32_2 = arith.constant 0 : i32
    %c0_i32_3 = arith.constant 0 : i32
    return %c0_i32, %add3A_0, %c0_i32_1, %c0_i32_2 : i32, i32, i32, i32
  }
  func.func @transform_2(%arg0: i32, %arg1: i32) -> (i32, i32, i32, i32) {
    %add3A = arith.constant 24 : i32
    %add3A_0 = arith.addi %add3A, %arg0 : i32
    %c0_i32 = arith.constant 0 : i32
    %c0_i32_1 = arith.constant 0 : i32
    %c0_i32_2 = arith.constant 0 : i32
    %c0_i32_3 = arith.constant 0 : i32
    return %c0_i32, %add3A_0, %c0_i32_1, %c0_i32_2 : i32, i32, i32, i32
  }
  func.func @transform_3(%arg0: i32, %arg1: i32) -> (i32, i32, i32, i32) {
    %c0_i32 = arith.constant 0 : i32
    %c0_i32_0 = arith.constant 0 : i32
    %c0_i32_1 = arith.constant 0 : i32
    return %arg1, %arg0, %c0_i32, %c0_i32_0 : i32, i32, i32, i32
  }
}

module attributes {stable_mosaic.version = 14 : i64} {
  func.func @_ln1_body(%arg0: memref<2048x768xf32, #tpu.memory_space<vmem>>, %arg1: memref<768x768xf32, #tpu.memory_space<vmem>>, %arg2: memref<1x768xf32, #tpu.memory_space<vmem>>, %arg3: memref<2048x768xf32, #tpu.memory_space<vmem>>, %arg4: memref<1x768xf32, #tpu.memory_space<vmem>>, %arg5: memref<1x768xf32, #tpu.memory_space<vmem>>, %arg6: memref<2048x768xf32, #tpu.memory_space<vmem>>) attributes {dimension_semantics = [], scalar_prefetch = 0 : i64, scratch_operands = 0 : i64, tpu.core_type = #tpu.core_type<tc>} {
    %get3A = arith.constant 0 : index
    %get3A_0 = arith.constant 0 : index
    %get3A_1 = vector.load %arg0[%get3A, %get3A_0] : memref<2048x768xf32, #tpu.memory_space<vmem>>, vector<2048x768xf32>
    %get3A_2 = arith.constant 0 : index
    %get3A_3 = arith.constant 0 : index
    %get3A_4 = vector.load %arg1[%get3A_2, %get3A_3] : memref<768x768xf32, #tpu.memory_space<vmem>>, vector<768x768xf32>
    %convert_element_type3A = arith.truncf %get3A_1 : vector<2048x768xf32> to vector<2048x768xbf16>
    %convert_element_type3A_5 = arith.truncf %get3A_4 : vector<768x768xf32> to vector<768x768xbf16>
    %dot_general3A = arith.constant dense<0.000000e+00> : vector<2048x768xf32>
    %dot_general3A_6 = tpu.matmul %convert_element_type3A, %convert_element_type3A_5, %dot_general3A {dimension_numbers = #tpu.dot_dimension_numbers<[1], [1], [0], [0], [0, 0, 1, 0], [], []>, transpose_lhs_hint = false} : vector<2048x768xbf16>, vector<768x768xbf16>, vector<2048x768xf32> -> vector<2048x768xf32>
    %get3A_7 = arith.constant 0 : index
    %get3A_8 = arith.constant 0 : index
    %get3A_9 = vector.load %arg2[%get3A_7, %get3A_8] : memref<1x768xf32, #tpu.memory_space<vmem>>, vector<1x768xf32>
    %add3A = vector.broadcast %get3A_9 : vector<1x768xf32> to vector<2048x768xf32>
    %add3A_10 = arith.addf %dot_general3A_6, %add3A : vector<2048x768xf32>
    %get3A_11 = arith.constant 0 : index
    %get3A_12 = arith.constant 0 : index
    %get3A_13 = vector.load %arg3[%get3A_11, %get3A_12] : memref<2048x768xf32, #tpu.memory_space<vmem>>, vector<2048x768xf32>
    %add3A_14 = arith.addf %add3A_10, %get3A_13 : vector<2048x768xf32>
    %reduce_sum3A = arith.constant dense<0.000000e+00> : vector<2048xf32>
    %reduce_sum3A_15 = vector.multi_reduction <add>, %add3A_14, %reduce_sum3A [1] : vector<2048x768xf32> to vector<2048xf32>
    %broadcast_in_dim3A = vector.shape_cast %reduce_sum3A_15 : vector<2048xf32> to vector<2048x1xf32>
    %div3A = arith.constant 7.680000e+02 : f32
    %div3A_16 = vector.broadcast %div3A : f32 to vector<2048x1xf32>
    %div3A_17 = arith.divf %broadcast_in_dim3A, %div3A_16 : vector<2048x1xf32>
    %sub3A = vector.broadcast %div3A_17 : vector<2048x1xf32> to vector<2048x768xf32>
    %sub3A_18 = arith.subf %add3A_14, %sub3A : vector<2048x768xf32>
    %mul3A = arith.mulf %sub3A_18, %sub3A_18 : vector<2048x768xf32>
    %reduce_sum3A_19 = arith.constant dense<0.000000e+00> : vector<2048xf32>
    %reduce_sum3A_20 = vector.multi_reduction <add>, %mul3A, %reduce_sum3A_19 [1] : vector<2048x768xf32> to vector<2048xf32>
    %broadcast_in_dim3A_21 = vector.shape_cast %reduce_sum3A_20 : vector<2048xf32> to vector<2048x1xf32>
    %div3A_22 = arith.constant 7.680000e+02 : f32
    %div3A_23 = vector.broadcast %div3A_22 : f32 to vector<2048x1xf32>
    %div3A_24 = arith.divf %broadcast_in_dim3A_21, %div3A_23 : vector<2048x1xf32>
    %add3A_25 = arith.constant 9.99999974E-6 : f32
    %add3A_26 = vector.broadcast %add3A_25 : f32 to vector<2048x1xf32>
    %add3A_27 = arith.addf %div3A_24, %add3A_26 : vector<2048x1xf32>
    %sqrt3A = math.sqrt %add3A_27 : vector<2048x1xf32>
    %div3A_28 = vector.broadcast %sqrt3A : vector<2048x1xf32> to vector<2048x768xf32>
    %div3A_29 = arith.divf %sub3A_18, %div3A_28 : vector<2048x768xf32>
    %get3A_30 = arith.constant 0 : index
    %get3A_31 = arith.constant 0 : index
    %get3A_32 = vector.load %arg4[%get3A_30, %get3A_31] : memref<1x768xf32, #tpu.memory_space<vmem>>, vector<1x768xf32>
    %mul3A_33 = vector.broadcast %get3A_32 : vector<1x768xf32> to vector<2048x768xf32>
    %mul3A_34 = arith.mulf %div3A_29, %mul3A_33 : vector<2048x768xf32>
    %get3A_35 = arith.constant 0 : index
    %get3A_36 = arith.constant 0 : index
    %get3A_37 = vector.load %arg5[%get3A_35, %get3A_36] : memref<1x768xf32, #tpu.memory_space<vmem>>, vector<1x768xf32>
    %add3A_38 = vector.broadcast %get3A_37 : vector<1x768xf32> to vector<2048x768xf32>
    %add3A_39 = arith.addf %mul3A_34, %add3A_38 : vector<2048x768xf32>
    %swap3A = arith.constant 0 : index
    %swap3A_40 = arith.constant 0 : index
    %swap3A_41 = vector.load %arg6[%swap3A, %swap3A_40] : memref<2048x768xf32, #tpu.memory_space<vmem>>, vector<2048x768xf32>
    tpu.vector_store %arg6[%swap3A, %swap3A_40], %add3A_39 {strides = array<i32>} : memref<2048x768xf32, #tpu.memory_space<vmem>>, vector<2048x768xf32>,
    return
  }
}

module attributes {stable_mosaic.version = 14 : i64} {
  func.func @_route_body(%arg0: memref<2048x768xf32, #tpu.memory_space<vmem>>, %arg1: memref<768x128xf32, #tpu.memory_space<vmem>>, %arg2: memref<1x128xf32, #tpu.memory_space<vmem>>, %arg3: memref<2048x1xi32, #tpu.memory_space<vmem>>, %arg4: memref<2048x1xi32, #tpu.memory_space<vmem>>, %arg5: memref<2048x1xf32, #tpu.memory_space<vmem>>, %arg6: memref<2048x8xf32, #tpu.memory_space<vmem>>) attributes {dimension_semantics = [], scalar_prefetch = 0 : i64, scratch_operands = 1 : i64, tpu.core_type = #tpu.core_type<tc>} {
    %get3A = arith.constant 0 : index
    %get3A_0 = arith.constant 0 : index
    %get3A_1 = vector.load %arg0[%get3A, %get3A_0] : memref<2048x768xf32, #tpu.memory_space<vmem>>, vector<2048x768xf32>
    %get3A_2 = arith.constant 0 : index
    %get3A_3 = arith.constant 0 : index
    %get3A_4 = vector.load %arg1[%get3A_2, %get3A_3] : memref<768x128xf32, #tpu.memory_space<vmem>>, vector<768x128xf32>
    %convert_element_type3A = arith.truncf %get3A_1 : vector<2048x768xf32> to vector<2048x768xbf16>
    %convert_element_type3A_5 = arith.truncf %get3A_4 : vector<768x128xf32> to vector<768x128xbf16>
    %dot_general3A = arith.constant dense<0.000000e+00> : vector<2048x128xf32>
    %dot_general3A_6 = tpu.matmul %convert_element_type3A, %convert_element_type3A_5, %dot_general3A {dimension_numbers = #tpu.dot_dimension_numbers<[1], [0], [0], [1], [0, 0, 1, 1], [], []>, transpose_lhs_hint = false} : vector<2048x768xbf16>, vector<768x128xbf16>, vector<2048x128xf32> -> vector<2048x128xf32>
    %get3A_7 = arith.constant 0 : index
    %get3A_8 = arith.constant 0 : index
    %get3A_9 = vector.load %arg2[%get3A_7, %get3A_8] : memref<1x128xf32, #tpu.memory_space<vmem>>, vector<1x128xf32>
    %add3A = vector.broadcast %get3A_9 : vector<1x128xf32> to vector<2048x128xf32>
    %add3A_10 = arith.addf %dot_general3A_6, %add3A : vector<2048x128xf32>
    %reduce_max3A = arith.constant dense<0xFF800000> : vector<2048xf32>
    %reduce_max3A_11 = vector.multi_reduction <maximumf>, %add3A_10, %reduce_max3A [1] : vector<2048x128xf32> to vector<2048xf32>
    %broadcast_in_dim3A = vector.shape_cast %reduce_max3A_11 : vector<2048xf32> to vector<2048x1xf32>
    %iota3A = tpu.iota {dimensions = array<i32: 1>} : vector<2048x128xi32>
    %eq3A = vector.broadcast %broadcast_in_dim3A : vector<2048x1xf32> to vector<2048x128xf32>
    %eq3A_12 = arith.cmpf oeq, %add3A_10, %eq3A : vector<2048x128xf32>
    %jit3A = arith.constant 128 : i32
    %broadcast_in_dim3A_13 = vector.broadcast %jit3A : i32 to vector<2048x128xi32>
    %select_n3A = arith.select %eq3A_12, %iota3A, %broadcast_in_dim3A_13 : vector<2048x128xi1>, vector<2048x128xi32>
    %reduce_min3A = arith.constant dense<2147483647> : vector<2048xi32>
    %reduce_min3A_14 = vector.multi_reduction <minsi>, %select_n3A, %reduce_min3A [1] : vector<2048x128xi32> to vector<2048xi32>
    %broadcast_in_dim3A_15 = vector.shape_cast %reduce_min3A_14 : vector<2048xi32> to vector<2048x1xi32>
    %swap3A = arith.constant 0 : index
    %swap3A_16 = arith.constant 0 : index
    %swap3A_17 = vector.load %arg3[%swap3A, %swap3A_16] : memref<2048x1xi32, #tpu.memory_space<vmem>>, vector<2048x1xi32>
    tpu.vector_store %arg3[%swap3A, %swap3A_16], %broadcast_in_dim3A_15 {strides = array<i32>} : memref<2048x1xi32, #tpu.memory_space<vmem>>, vector<2048x1xi32>,
    %iota3A_18 = tpu.iota {dimensions = array<i32: 1>} : vector<2048x8xi32>
    %eq3A_19 = vector.broadcast %broadcast_in_dim3A_15 : vector<2048x1xi32> to vector<2048x8xi32>
    %eq3A_20 = arith.cmpi eq, %iota3A_18, %eq3A_19 : vector<2048x8xi32>
    %convert_element_type3A_21 = arith.extui %eq3A_20 : vector<2048x8xi1> to vector<2048x8xi32>
    %convert_element_type3A_22 = arith.sitofp %convert_element_type3A_21 : vector<2048x8xi32> to vector<2048x8xf32>
    %swap3A_23 = arith.constant 0 : index
    %swap3A_24 = arith.constant 0 : index
    %swap3A_25 = vector.load %arg6[%swap3A_23, %swap3A_24] : memref<2048x8xf32, #tpu.memory_space<vmem>>, vector<2048x8xf32>
    tpu.vector_store %arg6[%swap3A_23, %swap3A_24], %convert_element_type3A_22 {strides = array<i32>} : memref<2048x8xf32, #tpu.memory_space<vmem>>, vector<2048x8xf32>,
    %iota3A_26 = tpu.iota {dimensions = array<i32: 0>} : vector<512x512xi32>
    %iota3A_27 = tpu.iota {dimensions = array<i32: 1>} : vector<512x512xi32>
    %gt3A = arith.cmpi sgt, %iota3A_26, %iota3A_27 : vector<512x512xi32>
    %convert_element_type3A_28 = arith.extui %gt3A : vector<512x512xi1> to vector<512x512xi32>
    %convert_element_type3A_29 = arith.sitofp %convert_element_type3A_28 : vector<512x512xi32> to vector<512x512xf32>
    %broadcast_in_dim3A_30 = arith.constant 0.000000e+00 : f32
    %broadcast_in_dim3A_31 = vector.broadcast %broadcast_in_dim3A_30 : f32 to vector<1x8xf32>
    %scan3A = arith.constant 0 : i32
    %scan3A_32 = arith.constant 4 : i32
    %scan3A_33 = arith.addi %scan3A, %scan3A_32 : i32
    %scan3A_34 = arith.constant 1 : i32
    %scan3A_35 = scf.for %scan3A_37 = %scan3A to %scan3A_33 step %scan3A_34 iter_args(%scan3A_38 = %broadcast_in_dim3A_31) -> (vector<1x8xf32>)  : i32 {
      %mul3A = arith.constant 512 : i32
      %mul3A_39 = arith.muli %scan3A_37, %mul3A : i32
      %multiple_of3A = tpu.assume_multiple %mul3A_39, 512 : i32
      %get3A_40 = arith.index_cast %multiple_of3A : i32 to index
      %get3A_41 = arith.constant 0 : index
      %get3A_42 = vector.load %arg6[%get3A_40, %get3A_41] : memref<2048x8xf32, #tpu.memory_space<vmem>>, vector<512x8xf32>
      %dot_general3A_43 = arith.constant dense<0.000000e+00> : vector<512x8xf32>
      %dot_general3A_44 = tpu.matmul %convert_element_type3A_29, %get3A_42, %dot_general3A_43 {dimension_numbers = #tpu.dot_dimension_numbers<[1], [0], [0], [1], [0, 0, 1, 1], [], []>, transpose_lhs_hint = false} : vector<512x512xf32>, vector<512x8xf32>, vector<512x8xf32> -> vector<512x8xf32>
      %add3A_45 = vector.broadcast %scan3A_38 : vector<1x8xf32> to vector<512x8xf32>
      %add3A_46 = arith.addf %dot_general3A_44, %add3A_45 : vector<512x8xf32>
      %mul3A_47 = arith.mulf %add3A_46, %get3A_42 : vector<512x8xf32>
      %reduce_sum3A = arith.constant dense<0.000000e+00> : vector<512xf32>
      %reduce_sum3A_48 = vector.multi_reduction <add>, %mul3A_47, %reduce_sum3A [1] : vector<512x8xf32> to vector<512xf32>
      %broadcast_in_dim3A_49 = vector.shape_cast %reduce_sum3A_48 : vector<512xf32> to vector<512x1xf32>
      %get3A_50 = arith.index_cast %multiple_of3A : i32 to index
      %get3A_51 = arith.constant 0 : index
      %get3A_52 = vector.load %arg3[%get3A_50, %get3A_51] : memref<2048x1xi32, #tpu.memory_space<vmem>>, vector<512x1xi32>
      %lt3A = arith.constant 5.120000e+02 : f32
      %lt3A_53 = vector.broadcast %lt3A : f32 to vector<512x1xf32>
      %lt3A_54 = arith.cmpf olt, %broadcast_in_dim3A_49, %lt3A_53 : vector<512x1xf32>
      %convert_element_type3A_55 = arith.fptosi %broadcast_in_dim3A_49 : vector<512x1xf32> to vector<512x1xi32>
      %min3A = arith.constant 511 : i32
      %min3A_56 = vector.broadcast %min3A : i32 to vector<512x1xi32>
      %min3A_57 = arith.minsi %convert_element_type3A_55, %min3A_56 : vector<512x1xi32>
      %mul3A_58 = arith.constant 512 : i32
      %mul3A_59 = vector.broadcast %mul3A_58 : i32 to vector<512x1xi32>
      %mul3A_60 = arith.muli %get3A_52, %mul3A_59 : vector<512x1xi32>
      %add3A_61 = arith.addi %mul3A_60, %min3A_57 : vector<512x1xi32>
      %iota3A_62 = tpu.iota {dimensions = array<i32: 0>} : vector<512x1xi32>
      %add3A_63 = vector.broadcast %multiple_of3A : i32 to vector<512x1xi32>
      %add3A_64 = arith.addi %add3A_63, %iota3A_62 : vector<512x1xi32>
      %jit3A_65 = arith.constant 64 : i32
      %div3A = vector.broadcast %jit3A_65 : i32 to vector<512x1xi32>
      %div3A_66 = arith.divsi %add3A_64, %div3A : vector<512x1xi32>
      %sign3A = arith.constant 0 : i32
      %sign3A_67 = vector.broadcast %sign3A : i32 to vector<512x1xi32>
      %sign3A_68 = arith.cmpi sgt, %add3A_64, %sign3A_67 : vector<512x1xi32>
      %sign3A_69 = arith.extui %sign3A_68 : vector<512x1xi1> to vector<512x1xi32>
      %sign3A_70 = arith.constant 0 : i32
      %sign3A_71 = vector.broadcast %sign3A_70 : i32 to vector<512x1xi32>
      %sign3A_72 = arith.cmpi slt, %add3A_64, %sign3A_71 : vector<512x1xi32>
      %sign3A_73 = arith.extui %sign3A_72 : vector<512x1xi1> to vector<512x1xi32>
      %sign3A_74 = arith.subi %sign3A_69, %sign3A_73 : vector<512x1xi32>
      %sign3A_75 = arith.constant 0 : i32
      %sign3A_76 = arith.cmpi sgt, %jit3A_65, %sign3A_75 : i32
      %sign3A_77 = arith.extui %sign3A_76 : i1 to i32
      %sign3A_78 = arith.constant 0 : i32
      %sign3A_79 = arith.cmpi slt, %jit3A_65, %sign3A_78 : i32
      %sign3A_80 = arith.extui %sign3A_79 : i1 to i32
      %sign3A_81 = arith.subi %sign3A_77, %sign3A_80 : i32
      %ne3A = vector.broadcast %sign3A_81 : i32 to vector<512x1xi32>
      %ne3A_82 = arith.cmpi ne, %sign3A_74, %ne3A : vector<512x1xi32>
      %rem3A = vector.broadcast %jit3A_65 : i32 to vector<512x1xi32>
      %rem3A_83 = arith.remsi %add3A_64, %rem3A : vector<512x1xi32>
      %ne3A_84 = arith.constant 0 : i32
      %ne3A_85 = vector.broadcast %ne3A_84 : i32 to vector<512x1xi32>
      %ne3A_86 = arith.cmpi ne, %rem3A_83, %ne3A_85 : vector<512x1xi32>
      %and3A = arith.andi %ne3A_82, %ne3A_86 : vector<512x1xi1>
      %sub3A = arith.constant 1 : i32
      %sub3A_87 = vector.broadcast %sub3A : i32 to vector<512x1xi32>
      %sub3A_88 = arith.subi %div3A_66, %sub3A_87 : vector<512x1xi32>
      %select_n3A_89 = arith.select %and3A, %sub3A_88, %div3A_66 : vector<512x1xi1>, vector<512x1xi32>
      %add3A_90 = arith.constant 4096 : i32
      %add3A_91 = vector.broadcast %add3A_90 : i32 to vector<512x1xi32>
      %add3A_92 = arith.addi %add3A_91, %select_n3A_89 : vector<512x1xi32>
      %select_n3A_93 = arith.select %lt3A_54, %add3A_61, %add3A_92 : vector<512x1xi1>, vector<512x1xi32>
      %swap3A_94 = arith.index_cast %multiple_of3A : i32 to index
      %swap3A_95 = arith.constant 0 : index
      %swap3A_96 = vector.load %arg3[%swap3A_94, %swap3A_95] : memref<2048x1xi32, #tpu.memory_space<vmem>>, vector<512x1xi32>
      tpu.vector_store %arg3[%swap3A_94, %swap3A_95], %select_n3A_93 {strides = array<i32>} : memref<2048x1xi32, #tpu.memory_space<vmem>>, vector<512x1xi32>,
      %jit3A_97 = arith.constant 0 : i32
      %broadcast_in_dim3A_98 = vector.broadcast %jit3A_97 : i32 to vector<512x1xi32>
      %select_n3A_99 = arith.select %lt3A_54, %add3A_61, %broadcast_in_dim3A_98 : vector<512x1xi1>, vector<512x1xi32>
      %swap3A_100 = arith.index_cast %multiple_of3A : i32 to index
      %swap3A_101 = arith.constant 0 : index
      %swap3A_102 = vector.load %arg4[%swap3A_100, %swap3A_101] : memref<2048x1xi32, #tpu.memory_space<vmem>>, vector<512x1xi32>
      tpu.vector_store %arg4[%swap3A_100, %swap3A_101], %select_n3A_99 {strides = array<i32>} : memref<2048x1xi32, #tpu.memory_space<vmem>>, vector<512x1xi32>,
      %convert_element_type3A_103 = arith.extui %lt3A_54 : vector<512x1xi1> to vector<512x1xi32>
      %convert_element_type3A_104 = arith.sitofp %convert_element_type3A_103 : vector<512x1xi32> to vector<512x1xf32>
      %swap3A_105 = arith.index_cast %multiple_of3A : i32 to index
      %swap3A_106 = arith.constant 0 : index
      %swap3A_107 = vector.load %arg5[%swap3A_105, %swap3A_106] : memref<2048x1xf32, #tpu.memory_space<vmem>>, vector<512x1xf32>
      tpu.vector_store %arg5[%swap3A_105, %swap3A_106], %convert_element_type3A_104 {strides = array<i32>} : memref<2048x1xf32, #tpu.memory_space<vmem>>, vector<512x1xf32>,
      %reduce_sum3A_108 = arith.constant dense<0.000000e+00> : vector<8xf32>
      %reduce_sum3A_109 = vector.multi_reduction <add>, %get3A_42, %reduce_sum3A_108 [0] : vector<512x8xf32> to vector<8xf32>
      %broadcast_in_dim3A_110 = vector.shape_cast %reduce_sum3A_109 : vector<8xf32> to vector<1x8xf32>
      %add3A_111 = arith.addf %scan3A_38, %broadcast_in_dim3A_110 : vector<1x8xf32>
      scf.yield %add3A_111 : vector<1x8xf32>
    }
    %scan3A_36 = arith.constant 4 : i32
    return
  }
}

module attributes {stable_mosaic.version = 14 : i64} {
  func.func @_moe_body(%arg0: i32, %arg1: i32, %arg2: memref<512x768xf32, #tpu.memory_space<vmem>>, %arg3: memref<1x1536x768xf32, #tpu.memory_space<vmem>>, %arg4: memref<1x1x1536xf32, #tpu.memory_space<vmem>>, %arg5: memref<1x768x1536xf32, #tpu.memory_space<vmem>>, %arg6: memref<1x1x768xf32, #tpu.memory_space<vmem>>, %arg7: memref<512x768xf32, #tpu.memory_space<vmem>>) attributes {dimension_semantics = [#tpu.dimension_semantics<arbitrary>, #tpu.dimension_semantics<arbitrary>], iteration_bounds = array<i64: 8, 2>, scalar_prefetch = 0 : i64, scratch_operands = 0 : i64, tpu.core_type = #tpu.core_type<tc>, window_params = [{transform_indices = @transform_0, window_bounds = array<i64: 512, 768>}, {transform_indices = @transform_1, window_bounds = array<i64: 1, 1536, 768>}, {transform_indices = @transform_2, window_bounds = array<i64: 1, 1, 1536>}, {transform_indices = @transform_3, window_bounds = array<i64: 1, 768, 1536>}, {transform_indices = @transform_4, window_bounds = array<i64: 1, 1, 768>}, {transform_indices = @transform_5, window_bounds = array<i64: 512, 768>}]} {
    %get3A = arith.constant 0 : index
    %get3A_0 = arith.constant 0 : index
    %get3A_1 = vector.load %arg2[%get3A, %get3A_0] : memref<512x768xf32, #tpu.memory_space<vmem>>, vector<512x768xf32>
    %get3A_2 = arith.constant 0 : index
    %get3A_3 = arith.constant 0 : index
    %get3A_4 = arith.constant 0 : index
    %get3A_5 = vector.load %arg3[%get3A_2, %get3A_3, %get3A_4] : memref<1x1536x768xf32, #tpu.memory_space<vmem>>, vector<1x1536x768xf32>
    %get3A_6 = vector.shape_cast %get3A_5 : vector<1x1536x768xf32> to vector<1536x768xf32>
    %convert_element_type3A = arith.truncf %get3A_1 : vector<512x768xf32> to vector<512x768xbf16>
    %convert_element_type3A_7 = arith.truncf %get3A_6 : vector<1536x768xf32> to vector<1536x768xbf16>
    %dot_general3A = arith.constant dense<0.000000e+00> : vector<512x1536xf32>
    %dot_general3A_8 = tpu.matmul %convert_element_type3A, %convert_element_type3A_7, %dot_general3A {dimension_numbers = #tpu.dot_dimension_numbers<[1], [1], [0], [0], [0, 0, 1, 0], [], []>, transpose_lhs_hint = false} : vector<512x768xbf16>, vector<1536x768xbf16>, vector<512x1536xf32> -> vector<512x1536xf32>
    %get3A_9 = arith.constant 0 : index
    %get3A_10 = arith.constant 0 : index
    %get3A_11 = arith.constant 0 : index
    %get3A_12 = vector.load %arg4[%get3A_9, %get3A_10, %get3A_11] : memref<1x1x1536xf32, #tpu.memory_space<vmem>>, vector<1x1x1536xf32>
    %get3A_13 = vector.shape_cast %get3A_12 : vector<1x1x1536xf32> to vector<1x1536xf32>
    %add3A = vector.broadcast %get3A_13 : vector<1x1536xf32> to vector<512x1536xf32>
    %add3A_14 = arith.addf %dot_general3A_8, %add3A : vector<512x1536xf32>
    %mul3A = arith.constant 5.000000e-01 : f32
    %mul3A_15 = vector.broadcast %mul3A : f32 to vector<512x1536xf32>
    %mul3A_16 = arith.mulf %mul3A_15, %add3A_14 : vector<512x1536xf32>
    %mul3A_17 = arith.constant 0.707106769 : f32
    %mul3A_18 = vector.broadcast %mul3A_17 : f32 to vector<512x1536xf32>
    %mul3A_19 = arith.mulf %add3A_14, %mul3A_18 : vector<512x1536xf32>
    %sign3A = tpu.bitcast %mul3A_19 : vector<512x1536xf32> -> vector<512x1536xi32>
    %sign3A_20 = arith.constant -2147483648 : i32
    %sign3A_21 = vector.broadcast %sign3A_20 : i32 to vector<512x1536xi32>
    %sign3A_22 = arith.andi %sign3A, %sign3A_21 : vector<512x1536xi32>
    %sign3A_23 = arith.constant 1065353216 : i32
    %sign3A_24 = vector.broadcast %sign3A_23 : i32 to vector<512x1536xi32>
    %sign3A_25 = arith.ori %sign3A_24, %sign3A_22 : vector<512x1536xi32>
    %sign3A_26 = tpu.bitcast %sign3A_25 : vector<512x1536xi32> -> vector<512x1536xf32>
    %sign3A_27 = math.absf %mul3A_19 : vector<512x1536xf32>
    %sign3A_28 = arith.constant 0.000000e+00 : f32
    %sign3A_29 = vector.broadcast %sign3A_28 : f32 to vector<512x1536xf32>
    %sign3A_30 = arith.cmpf ogt, %sign3A_27, %sign3A_29 : vector<512x1536xf32>
    %sign3A_31 = arith.select %sign3A_30, %sign3A_26, %mul3A_19 : vector<512x1536xi1>, vector<512x1536xf32>
    %abs3A = math.absf %mul3A_19 : vector<512x1536xf32>
    %mul3A_32 = arith.constant 0.327591091 : f32
    %mul3A_33 = vector.broadcast %mul3A_32 : f32 to vector<512x1536xf32>
    %mul3A_34 = arith.mulf %mul3A_33, %abs3A : vector<512x1536xf32>
    %add3A_35 = arith.constant 1.000000e+00 : f32
    %add3A_36 = vector.broadcast %add3A_35 : f32 to vector<512x1536xf32>
    %add3A_37 = arith.addf %add3A_36, %mul3A_34 : vector<512x1536xf32>
    %div3A = arith.constant 1.000000e+00 : f32
    %div3A_38 = vector.broadcast %div3A : f32 to vector<512x1536xf32>
    %div3A_39 = arith.divf %div3A_38, %add3A_37 : vector<512x1536xf32>
    %mul3A_40 = arith.constant 1.06140542 : f32
    %mul3A_41 = vector.broadcast %mul3A_40 : f32 to vector<512x1536xf32>
    %mul3A_42 = arith.mulf %div3A_39, %mul3A_41 : vector<512x1536xf32>
    %add3A_43 = arith.constant -1.45315206 : f32
    %add3A_44 = vector.broadcast %add3A_43 : f32 to vector<512x1536xf32>
    %add3A_45 = arith.addf %add3A_44, %mul3A_42 : vector<512x1536xf32>
    %mul3A_46 = arith.mulf %div3A_39, %add3A_45 : vector<512x1536xf32>
    %add3A_47 = arith.constant 1.42141378 : f32
    %add3A_48 = vector.broadcast %add3A_47 : f32 to vector<512x1536xf32>
    %add3A_49 = arith.addf %add3A_48, %mul3A_46 : vector<512x1536xf32>
    %mul3A_50 = arith.mulf %div3A_39, %add3A_49 : vector<512x1536xf32>
    %add3A_51 = arith.constant -0.284496725 : f32
    %add3A_52 = vector.broadcast %add3A_51 : f32 to vector<512x1536xf32>
    %add3A_53 = arith.addf %add3A_52, %mul3A_50 : vector<512x1536xf32>
    %mul3A_54 = arith.mulf %div3A_39, %add3A_53 : vector<512x1536xf32>
    %add3A_55 = arith.constant 0.254829586 : f32
    %add3A_56 = vector.broadcast %add3A_55 : f32 to vector<512x1536xf32>
    %add3A_57 = arith.addf %add3A_56, %mul3A_54 : vector<512x1536xf32>
    %mul3A_58 = arith.mulf %div3A_39, %add3A_57 : vector<512x1536xf32>
    %neg3A = arith.constant 0.000000e+00 : f32
    %neg3A_59 = vector.broadcast %neg3A : f32 to vector<512x1536xf32>
    %neg3A_60 = arith.subf %neg3A_59, %abs3A : vector<512x1536xf32>
    %mul3A_61 = arith.mulf %neg3A_60, %abs3A : vector<512x1536xf32>
    %exp3A = math.exp %mul3A_61 : vector<512x1536xf32>
    %mul3A_62 = arith.mulf %mul3A_58, %exp3A : vector<512x1536xf32>
    %sub3A = arith.constant 1.000000e+00 : f32
    %sub3A_63 = vector.broadcast %sub3A : f32 to vector<512x1536xf32>
    %sub3A_64 = arith.subf %sub3A_63, %mul3A_62 : vector<512x1536xf32>
    %mul3A_65 = arith.mulf %sign3A_31, %sub3A_64 : vector<512x1536xf32>
    %add3A_66 = arith.constant 1.000000e+00 : f32
    %add3A_67 = vector.broadcast %add3A_66 : f32 to vector<512x1536xf32>
    %add3A_68 = arith.addf %add3A_67, %mul3A_65 : vector<512x1536xf32>
    %mul3A_69 = arith.mulf %mul3A_16, %add3A_68 : vector<512x1536xf32>
    %get3A_70 = arith.constant 0 : index
    %get3A_71 = arith.constant 0 : index
    %get3A_72 = arith.constant 0 : index
    %get3A_73 = vector.load %arg5[%get3A_70, %get3A_71, %get3A_72] : memref<1x768x1536xf32, #tpu.memory_space<vmem>>, vector<1x768x1536xf32>
    %get3A_74 = vector.shape_cast %get3A_73 : vector<1x768x1536xf32> to vector<768x1536xf32>
    %convert_element_type3A_75 = arith.truncf %mul3A_69 : vector<512x1536xf32> to vector<512x1536xbf16>
    %convert_element_type3A_76 = arith.truncf %get3A_74 : vector<768x1536xf32> to vector<768x1536xbf16>
    %dot_general3A_77 = arith.constant dense<0.000000e+00> : vector<512x768xf32>
    %dot_general3A_78 = tpu.matmul %convert_element_type3A_75, %convert_element_type3A_76, %dot_general3A_77 {dimension_numbers = #tpu.dot_dimension_numbers<[1], [1], [0], [0], [0, 0, 1, 0], [], []>, transpose_lhs_hint = false} : vector<512x1536xbf16>, vector<768x1536xbf16>, vector<512x768xf32> -> vector<512x768xf32>
    %eq3A = arith.constant 0 : i32
    %eq3A_79 = arith.cmpi eq, %arg1, %eq3A : i32
    %convert_element_type3A_80 = arith.extui %eq3A_79 : i1 to i32
    %cond3A = arith.constant 0 : i32
    %cond3A_81 = arith.cmpi ne, %convert_element_type3A_80, %cond3A : i32
    scf.if %cond3A_81 {
      %get3A_86 = arith.constant 0 : index
      %get3A_87 = arith.constant 0 : index
      %get3A_88 = arith.constant 0 : index
      %get3A_89 = vector.load %arg6[%get3A_86, %get3A_87, %get3A_88] : memref<1x1x768xf32, #tpu.memory_space<vmem>>, vector<1x1x768xf32>
      %get3A_90 = vector.shape_cast %get3A_89 : vector<1x1x768xf32> to vector<1x768xf32>
      %add3A_91 = vector.broadcast %get3A_90 : vector<1x768xf32> to vector<512x768xf32>
      %add3A_92 = arith.addf %dot_general3A_78, %add3A_91 : vector<512x768xf32>
      %swap3A = arith.constant 0 : index
      %swap3A_93 = arith.constant 0 : index
      %swap3A_94 = vector.load %arg7[%swap3A, %swap3A_93] : memref<512x768xf32, #tpu.memory_space<vmem>>, vector<512x768xf32>
      tpu.vector_store %arg7[%swap3A, %swap3A_93], %add3A_92 {strides = array<i32>} : memref<512x768xf32, #tpu.memory_space<vmem>>, vector<512x768xf32>,
    } else {
    }
    %ne3A = arith.constant 0 : i32
    %ne3A_82 = arith.cmpi ne, %arg1, %ne3A : i32
    %convert_element_type3A_83 = arith.extui %ne3A_82 : i1 to i32
    %cond3A_84 = arith.constant 0 : i32
    %cond3A_85 = arith.cmpi ne, %convert_element_type3A_83, %cond3A_84 : i32
    scf.if %cond3A_85 {
      %get3A_86 = arith.constant 0 : index
      %get3A_87 = arith.constant 0 : index
      %get3A_88 = vector.load %arg7[%get3A_86, %get3A_87] : memref<512x768xf32, #tpu.memory_space<vmem>>, vector<512x768xf32>
      %add3A_89 = arith.addf %get3A_88, %dot_general3A_78 : vector<512x768xf32>
      %swap3A = arith.constant 0 : index
      %swap3A_90 = arith.constant 0 : index
      %swap3A_91 = vector.load %arg7[%swap3A, %swap3A_90] : memref<512x768xf32, #tpu.memory_space<vmem>>, vector<512x768xf32>
      tpu.vector_store %arg7[%swap3A, %swap3A_90], %add3A_89 {strides = array<i32>} : memref<512x768xf32, #tpu.memory_space<vmem>>, vector<512x768xf32>,
    } else {
    }
    return
  }
  func.func @transform_0(%arg0: i32, %arg1: i32) -> (i32, i32) {
    %c0_i32 = arith.constant 0 : i32
    %c0_i32_0 = arith.constant 0 : i32
    return %arg0, %c0_i32 : i32, i32
  }
  func.func @transform_1(%arg0: i32, %arg1: i32) -> (i32, i32, i32) {
    %c0_i32 = arith.constant 0 : i32
    %c0_i32_0 = arith.constant 0 : i32
    return %arg0, %arg1, %c0_i32 : i32, i32, i32
  }
  func.func @transform_2(%arg0: i32, %arg1: i32) -> (i32, i32, i32) {
    %c0_i32 = arith.constant 0 : i32
    %c0_i32_0 = arith.constant 0 : i32
    return %arg0, %c0_i32, %arg1 : i32, i32, i32
  }
  func.func @transform_3(%arg0: i32, %arg1: i32) -> (i32, i32, i32) {
    %c0_i32 = arith.constant 0 : i32
    %c0_i32_0 = arith.constant 0 : i32
    return %arg0, %c0_i32, %arg1 : i32, i32, i32
  }
  func.func @transform_4(%arg0: i32, %arg1: i32) -> (i32, i32, i32) {
    %c0_i32 = arith.constant 0 : i32
    %c0_i32_0 = arith.constant 0 : i32
    %c0_i32_1 = arith.constant 0 : i32
    return %arg0, %c0_i32, %c0_i32_0 : i32, i32, i32
  }
  func.func @transform_5(%arg0: i32, %arg1: i32) -> (i32, i32) {
    %c0_i32 = arith.constant 0 : i32
    %c0_i32_0 = arith.constant 0 : i32
    return %arg0, %c0_i32 : i32, i32
  }
}

module attributes {stable_mosaic.version = 14 : i64} {
  func.func @_final_body(%arg0: i32, %arg1: memref<512x768xf32, #tpu.memory_space<vmem>>, %arg2: memref<512x1xf32, #tpu.memory_space<vmem>>, %arg3: memref<512x768xf32, #tpu.memory_space<vmem>>, %arg4: memref<1x768xf32, #tpu.memory_space<vmem>>, %arg5: memref<1x768xf32, #tpu.memory_space<vmem>>, %arg6: memref<512x768xf32, #tpu.memory_space<vmem>>) attributes {dimension_semantics = [#tpu.dimension_semantics<arbitrary>], iteration_bounds = array<i64: 4>, scalar_prefetch = 0 : i64, scratch_operands = 0 : i64, tpu.core_type = #tpu.core_type<tc>, window_params = [{transform_indices = @transform_0, window_bounds = array<i64: 512, 768>}, {transform_indices = @transform_1, window_bounds = array<i64: 512, 1>}, {transform_indices = @transform_2, window_bounds = array<i64: 512, 768>}, {pipeline_mode = #tpu.pipeline_mode<synchronous>, transform_indices = @transform_3, window_bounds = array<i64: 1, 768>}, {pipeline_mode = #tpu.pipeline_mode<synchronous>, transform_indices = @transform_4, window_bounds = array<i64: 1, 768>}, {transform_indices = @transform_5, window_bounds = array<i64: 512, 768>}]} {
    %get3A = arith.constant 0 : index
    %get3A_0 = arith.constant 0 : index
    %get3A_1 = vector.load %arg3[%get3A, %get3A_0] : memref<512x768xf32, #tpu.memory_space<vmem>>, vector<512x768xf32>
    %get3A_2 = arith.constant 0 : index
    %get3A_3 = arith.constant 0 : index
    %get3A_4 = vector.load %arg1[%get3A_2, %get3A_3] : memref<512x768xf32, #tpu.memory_space<vmem>>, vector<512x768xf32>
    %get3A_5 = arith.constant 0 : index
    %get3A_6 = arith.constant 0 : index
    %get3A_7 = vector.load %arg2[%get3A_5, %get3A_6] : memref<512x1xf32, #tpu.memory_space<vmem>>, vector<512x1xf32>
    %mul3A = vector.broadcast %get3A_7 : vector<512x1xf32> to vector<512x768xf32>
    %mul3A_8 = arith.mulf %get3A_4, %mul3A : vector<512x768xf32>
    %add3A = arith.addf %get3A_1, %mul3A_8 : vector<512x768xf32>
    %reduce_sum3A = arith.constant dense<0.000000e+00> : vector<512xf32>
    %reduce_sum3A_9 = vector.multi_reduction <add>, %add3A, %reduce_sum3A [1] : vector<512x768xf32> to vector<512xf32>
    %broadcast_in_dim3A = vector.shape_cast %reduce_sum3A_9 : vector<512xf32> to vector<512x1xf32>
    %div3A = arith.constant 7.680000e+02 : f32
    %div3A_10 = vector.broadcast %div3A : f32 to vector<512x1xf32>
    %div3A_11 = arith.divf %broadcast_in_dim3A, %div3A_10 : vector<512x1xf32>
    %sub3A = vector.broadcast %div3A_11 : vector<512x1xf32> to vector<512x768xf32>
    %sub3A_12 = arith.subf %add3A, %sub3A : vector<512x768xf32>
    %mul3A_13 = arith.mulf %sub3A_12, %sub3A_12 : vector<512x768xf32>
    %reduce_sum3A_14 = arith.constant dense<0.000000e+00> : vector<512xf32>
    %reduce_sum3A_15 = vector.multi_reduction <add>, %mul3A_13, %reduce_sum3A_14 [1] : vector<512x768xf32> to vector<512xf32>
    %broadcast_in_dim3A_16 = vector.shape_cast %reduce_sum3A_15 : vector<512xf32> to vector<512x1xf32>
    %div3A_17 = arith.constant 7.680000e+02 : f32
    %div3A_18 = vector.broadcast %div3A_17 : f32 to vector<512x1xf32>
    %div3A_19 = arith.divf %broadcast_in_dim3A_16, %div3A_18 : vector<512x1xf32>
    %add3A_20 = arith.constant 9.99999974E-6 : f32
    %add3A_21 = vector.broadcast %add3A_20 : f32 to vector<512x1xf32>
    %add3A_22 = arith.addf %div3A_19, %add3A_21 : vector<512x1xf32>
    %sqrt3A = math.sqrt %add3A_22 : vector<512x1xf32>
    %div3A_23 = vector.broadcast %sqrt3A : vector<512x1xf32> to vector<512x768xf32>
    %div3A_24 = arith.divf %sub3A_12, %div3A_23 : vector<512x768xf32>
    %get3A_25 = arith.constant 0 : index
    %get3A_26 = arith.constant 0 : index
    %get3A_27 = vector.load %arg4[%get3A_25, %get3A_26] : memref<1x768xf32, #tpu.memory_space<vmem>>, vector<1x768xf32>
    %mul3A_28 = vector.broadcast %get3A_27 : vector<1x768xf32> to vector<512x768xf32>
    %mul3A_29 = arith.mulf %div3A_24, %mul3A_28 : vector<512x768xf32>
    %get3A_30 = arith.constant 0 : index
    %get3A_31 = arith.constant 0 : index
    %get3A_32 = vector.load %arg5[%get3A_30, %get3A_31] : memref<1x768xf32, #tpu.memory_space<vmem>>, vector<1x768xf32>
    %add3A_33 = vector.broadcast %get3A_32 : vector<1x768xf32> to vector<512x768xf32>
    %add3A_34 = arith.addf %mul3A_29, %add3A_33 : vector<512x768xf32>
    %swap3A = arith.constant 0 : index
    %swap3A_35 = arith.constant 0 : index
    %swap3A_36 = vector.load %arg6[%swap3A, %swap3A_35] : memref<512x768xf32, #tpu.memory_space<vmem>>, vector<512x768xf32>
    tpu.vector_store %arg6[%swap3A, %swap3A_35], %add3A_34 {strides = array<i32>} : memref<512x768xf32, #tpu.memory_space<vmem>>, vector<512x768xf32>,
    return
  }
  func.func @transform_0(%arg0: i32) -> (i32, i32) {
    %c0_i32 = arith.constant 0 : i32
    %c0_i32_0 = arith.constant 0 : i32
    return %arg0, %c0_i32 : i32, i32
  }
  func.func @transform_1(%arg0: i32) -> (i32, i32) {
    %c0_i32 = arith.constant 0 : i32
    %c0_i32_0 = arith.constant 0 : i32
    return %arg0, %c0_i32 : i32, i32
  }
  func.func @transform_2(%arg0: i32) -> (i32, i32) {
    %c0_i32 = arith.constant 0 : i32
    %c0_i32_0 = arith.constant 0 : i32
    return %arg0, %c0_i32 : i32, i32
  }
  func.func @transform_3(%arg0: i32) -> (i32, i32) {
    %c0_i32 = arith.constant 0 : i32
    %c0_i32_0 = arith.constant 0 : i32
    %c0_i32_1 = arith.constant 0 : i32
    return %c0_i32, %c0_i32_0 : i32, i32
  }
  func.func @transform_4(%arg0: i32) -> (i32, i32) {
    %c0_i32 = arith.constant 0 : i32
    %c0_i32_0 = arith.constant 0 : i32
    %c0_i32_1 = arith.constant 0 : i32
    return %c0_i32, %c0_i32_0 : i32, i32
  }
  func.func @transform_5(%arg0: i32) -> (i32, i32) {
    %c0_i32 = arith.constant 0 : i32
    %c0_i32_0 = arith.constant 0 : i32
    return %arg0, %c0_i32 : i32, i32
  }
}

</mosaic_0001>

<sc_bundles>
// kernel: kernel.10.cloned.1.call-start
scs
__scs_entry_jumppad:
0x0: {  	(pc) =	sbr.rel $0x88, $3  }
0x1: {  	(tag) =	ssettag $0x0;
	lr =	simm.s32 $0x1  }
0x2: {  	[smem:$0x3F92] =	sst lr;
	_ =	strace $0xD0000000  }
0x3: {  	_ = 	snop  }
0x4: {  	_ = 	snop  }
0x5: {  	_ = 	snop  }
0x6: {  	_ = 	snop  }
0x7: {  	_ = 	snop  }
__scs_overlays_trampoline_lowered:
0x8: {  	[smem:$0x3FA1] =	sst s0  }
0x9: {  	[smem:$0x3FA2] =	sst s1  }
0xa: {  	[smem:$0x3FA3] =	sst s2  }
0xb: {  	[smem:$0x3FA4] =	sst s3  }
0xc: {  	[smem:$0x3FA5] =	sst s4  }
0xd: {  	[smem:$0x3FA6] =	sst s5  }
0xe: {  	[smem:$0x3FA7] =	sst s6  }
0xf: {  	[smem:$0x3FA8] =	sst s7  }
0x10: {  	[smem:$0x3FA9] =	sst s8  }
0x11: {  	[smem:$0x3FAA] =	sst s9;
	s0 =	simm.s32 @!p0 $0x0  }
0x12: {  	s1 =	sld [smem:$0x3F90];
	s0 =	simm.s32 @p0 $0x1  }
0x13: {  	[smem:$0x3FAB] =	sst s0;
	s0 =	simm.s32 @!p1 $0x0  }
0x14: {  	s2 =	sld [smem:$0x3F8F];
	s0 =	simm.s32 @p1 $0x1  }
0x15: {  	[smem:$0x3FAC] =	sst s0;
	s0 =	simm.s32 @!p2 $0x0  }
0x16: {  	s3 =	sld [smem:$0x3FDB];
	s0 =	simm.s32 @p2 $0x1  }
0x17: {  	s4 =	simm.s32 $0x1BF5;
	[smem:$0x3FAE] =	sst s0  }
0x18: {  	s0 =	sld [smem:$0x3F91];
	_ =	swait.ge [sflag:s4], $0x0  }
0x19: {  	s7 =	sld [smem:$0x3F92]  }
0x1a: {  	s8 =	sadd.s32 $0xFFFFE003, lr  }
0x1b: {  	s9 =	sadd.s32 $0xFFFFFEF7, lr;
	s5 =	simm.s32 $0xFFFFFFFF;
	p2 =	slt.u32 s8, $0xFFFFF086  }
0x1c: {  	p1 =	slt.u32 s9, $0xF7A;
	s5 =	simm.s32 @!p2 $0x0  }
0x1d: {  	s5 =	simm.s32 @p1 $0x1;
	p0 =	seq.s32 s7, s2  }
0x1e: {  	s7 =	smul.u32 @!p0 $0xF7A, s2;
	p2 =	seq.s32 @!p0 s5, $0x0  }
0x1f: {  	s9 =	smul.u32 $0xF7A, s1;
	s8 =	simm.s32 @!p0 $0x1BF5;
	p2 =	por !p2, p0  }
0x20: {  	[sflag:s8] =	ssyncset.s32 @!p0 $0xFFFFF086;
	s6 =	sadd.s32 @!p0 s3, s7;
	s7 =	simm.s32 @!p0 $0x108  }
0x21: {  	s3 =	sadd.s32 s3, s9;
	s6 =	sadd.s32 @!p0 $0x88, s6;
	s7 =	simm.s32 @p2 $0x1082  }
0x22: {  	[simem:s7], [sflag:s8] =	dma.local @!p0 [hbm:s6], $0xF7A  }
0x23: {  	s9 =	sor.u32 $0xD0000000, s2;
	s6 =	simm.s32 $0x108;
	_ =	swait.ge @!p0 [sflag:s8], $0x0  }
0x24: {  	s3 =	sadd.s32 $0x88, s3;
	s6 =	simm.s32 @!p1 $0x1082;
	[sflag:s4] =	ssyncset.s32 $0xFFFFF086  }
0x25: {  	[simem:s6], [sflag:s4] =	dma.local [hbm:s3], $0xF7A  }
0x26: {  	[smem:$0x3F92] =	sst s1;
	(tag) =	ssettag s2;
	_ =	strace s9  }
0x27: {  	s1 =	sld [smem:$0x3FA2]  }
0x28: {  	s2 =	sld [smem:$0x3FA3]  }
0x29: {  	s4 =	sld [smem:$0x3FA5]  }
0x2a: {  	p0 =	seq.s32 s5, $0x0;
	s5 =	sld [smem:$0x3FA6]  }
0x2b: {  	s6 =	sld [smem:$0x3FA7]  }
0x2c: {  	s7 =	sld [smem:$0x3FA8]  }
0x2d: {  	s3 =	simm.s32 $0x108;
	s8 =	sld [smem:$0x3FA9]  }
0x2e: {  	s3 =	simm.s32 @!p0 $0x1082;
	s9 =	sld [smem:$0x3FAA]  }
0x2f: {  	lr =	sadd.s32 s0, s3;
	s0 =	sld [smem:$0x3FA1]  }
0x30: {  	s3 =	sld [smem:$0x3FA4]  }
0x31: {  	[smem:$0x3FAD] =	sst s10  }
0x32: {  	s10 =	sld [smem:$0x3FAB];
	_ =	sdelay $0x3  }
0x33: {  	p0 =	seq.s32 s10, $0x1;
	s10 =	sld [smem:$0x3FAD];
	_ =	sdelay $0x3  }
0x34: {  	[smem:$0x3FAD] =	sst s10  }
0x35: {  	s10 =	sld [smem:$0x3FAC];
	_ =	sdelay $0x3  }
0x36: {  	p1 =	seq.s32 s10, $0x1;
	s10 =	sld [smem:$0x3FAD];
	_ =	sdelay $0x3  }
0x37: {  	[smem:$0x3FAD] =	sst s10  }
0x38: {  	s10 =	sld [smem:$0x3FAE]  }
0x39: {  	_ = 	snop;
	(pc) =	sbr.ind lr, $3  }
0x3a: {  	_ = 	snop  }
0x3b: {  	_ = 	snop  }
0x3c: {  	p2 =	seq.s32 s10, $0x1;
	s10 =	sld [smem:$0x3FAD]  }
0x3d: {  	_ =	shalt  }
0x3e: {  	_ =	shalt  }
0x3f: {  	_ =	shalt  }
0x40: {  	_ =	shalt  }
0x41: {  	_ =	shalt  }
0x42: {  	_ =	shalt  }
0x43: {  	_ =	shalt  }
0x44: {  	_ =	shalt  }
0x45: {  	_ =	shalt  }
0x46: {  	_ =	shalt  }
0x47: {  	_ =	shalt  }
0x48: {  	_ =	shalt  }
0x49: {  	_ =	shalt  }
0x4a: {  	_ =	shalt  }
0x4b: {  	_ =	shalt  }
0x4c: {  	_ =	shalt  }
0x4d: {  	_ =	shalt  }
0x4e: {  	_ =	shalt  }
0x4f: {  	_ =	shalt  }
0x50: {  	_ =	shalt  }
0x51: {  	_ =	shalt  }
0x52: {  	_ =	shalt  }
0x53: {  	_ =	shalt  }
0x54: {  	_ =	shalt  }
0x55: {  	_ =	shalt  }
0x56: {  	_ =	shalt  }
0x57: {  	_ =	shalt  }
0x58: {  	_ =	shalt  }
0x59: {  	_ =	shalt  }
0x5a: {  	_ =	shalt  }
0x5b: {  	_ =	shalt  }
0x5c: {  	_ =	shalt  }
0x5d: {  	_ =	shalt  }
0x5e: {  	_ =	shalt  }
0x5f: {  	_ =	shalt  }
0x60: {  	_ =	shalt  }
0x61: {  	_ =	shalt  }
0x62: {  	_ =	shalt  }
0x63: {  	_ =	shalt  }
0x64: {  	_ =	shalt  }
0x65: {  	_ =	shalt  }
0x66: {  	_ =	shalt  }
0x67: {  	_ =	shalt  }
0x68: {  	_ =	shalt  }
0x69: {  	_ =	shalt  }
0x6a: {  	_ =	shalt  }
0x6b: {  	_ =	shalt  }
0x6c: {  	_ =	shalt  }
0x6d: {  	_ =	shalt  }
0x6e: {  	_ =	shalt  }
0x6f: {  	_ =	shalt  }
0x70: {  	_ =	shalt  }
0x71: {  	_ =	shalt  }
0x72: {  	_ =	shalt  }
0x73: {  	_ =	shalt  }
0x74: {  	_ =	shalt  }
0x75: {  	_ =	shalt  }
0x76: {  	_ =	shalt  }
0x77: {  	_ =	shalt  }
0x78: {  	_ =	shalt  }
0x79: {  	_ =	shalt  }
0x7a: {  	_ =	shalt  }
0x7b: {  	_ =	shalt  }
0x7c: {  	_ =	shalt  }
0x7d: {  	_ =	shalt  }
0x7e: {  	_ =	shalt  }
0x7f: {  	_ =	shalt  }
0x80: {  	_ =	shalt  }
0x81: {  	_ =	shalt  }
0x82: {  	_ =	shalt  }
0x83: {  	_ =	shalt  }
0x84: {  	_ =	shalt  }
0x85: {  	_ =	shalt  }
0x86: {  	_ =	shalt  }
0x87: {  	_ =	shalt  }
.Lfunc_end0:
.L_simem_size_0:
called_computation_lowered:
.L_overlay_start_0:
0x88: {  	s2 =	sld [smem:$0x3FD9]  }
0x89: {  	s3 =	sld [smem:$0x3FFE];
	_ =	sdelay $0x1  }
0x8a: {  	s1 =	srdreg.scid  }
0x8b: {  	s0 =	sand.u32 $0x1, s1  }
0x8c: {  	s17 =	sshll.u32 s0, $0xA;
	s2 =	sadd.s32 s3, s2  }
0x8d: {  	s2 =	sadd.s32 s2, s17  }
0x8e: {  	[smem:$0x3FB9] =	sst s2  }
0x8f: {  	_ = 	snop  }
0x90: {  	s2 =	sld [smem:$0x3FD0];
	(tm) =	ssettm $0x1  }
0x91: {  	s18 =	sld [smem:$0x3FFB];
	_ =	sdelay $0x3  }
0x92: {  	_ =	strace s18  }
0x93: {  	s3 =	sld [smem:$0x3FFC];
	_ =	sdelay $0x3  }
0x94: {  	_ =	strace s3  }
0x95: {  	s3 =	sld [smem:$0x3FFD];
	_ =	sdelay $0x3  }
0x96: {  	_ =	strace s3  }
0x97: {  	_ =	strace $0x8FFFFFFF  }
0x98: {  	s19 =	sld [smem:$0x3FDB];
	_ =	sdelay $0x1  }
0x99: {  	s4 =	simm.s32 $_scs_section_size  }
0x9a: {  	s5 =	simm.s32 $_size__tile_overlayer_lowered;
	s6 =	simm.s32 $_tile_overlayer_lowered  }
0x9b: {  	s22 =	simm.s32 $0x1BFF;
	s21 =	sshll.u32 s6, $0x1;
	s3 =	sadd.s32 s4, s19  }
0x9c: {  	s7 =	simm.s32 $0x0;
	s20 =	sshll.u32 s5, $0x1;
	s5 =	sadd.s32 s21, s3  }
0x9d: {  	[timem:s7], [sflag:s22] =	dma.local [hbm:s5], s20  }
0x9e: {  	_ =	swait.ge [sflag:s22], s20  }
0x9f: {  	s4 =	ssub.s32 $0x0, s20;
	[sflag:s22] =	ssyncset.done $0x0  }
0xa0: {  	[sflag:s22] =	ssyncadd.s32 s4;
	_ =	sdelay $0x1  }
0xa1: {  	s23 =	simm.s32 $0x1B8B  }
0xa2: {  	_ =	swait.ge [sflag:s23], $0x1  }
0xa3: {  	[sflag:s23] =	ssyncset.done $0x0  }
0xa4: {  	s25 =	simm.s32 $0x1B8E;
	s24 =	sld [smem:$0x3FFE];
	[sflag:s23] =	ssyncadd.s32 $0xFFFFFFFF  }
0xa5: {  	s26 =	simm.s32 $execute0_lowered;
	[smem:$0x3FD2] =	sst s25  }
0xa6: {  	s5 =	sshll.u32 s26, $0x1;
	_ =	strace $0x80000046;
	[dreg:$0x1] =	wrdreg $0xFFFFFFFF  }
0xa7: {  	s28 =	simm.s32 $_size_execute0_lowered;
	s3 =	sadd.s32 s3, s5;
	[dreg:$0x0] =	wrdreg $0x0  }
0xa8: {  	s5 =	sshll.u32 s28, $0x1;
	[dreg:$0x2] =	wrdreg s3  }
0xa9: {  	[dreg:$0x3] =	wrdreg s5  }
0xaa: {  	[dreg:$0x4] =	wrdreg $0xC0  }
0xab: {  	_ =	task [dreg:s7], $0x5FFFF  }
0xac: {  	[dreg:$0x1] =	wrdreg $0xFFFFFFFF  }
0xad: {  	[dreg:$0x0] =	wrdreg $0x60  }
0xae: {  	[dreg:$0x2] =	wrdreg s2  }
0xaf: {  	[dreg:$0x3] =	wrdreg s24  }
0xb0: {  	[dreg:$0x4] =	wrdreg $0x9  }
0xb1: {  	_ =	task.clear_ibuf [dreg:s7], $0x5FFFF;
	_ =	strace $0x90000046  }
0xb2: {  	s29 =	simm.s32 $0x9;
	_ =	strace $0x80000048  }
0xb3: {  	_ =	swait.ge [sflag:s29], $0x1  }
0xb4: {  	[sflag:s29] =	ssyncadd.s32 $0xFFFFFFFF  }
0xb5: {  	_ =	strace $0x90000048  }
0xb6: {  	_ =	sfence  }
0xb7: {  	s30 =	sld [smem:$0x0];
	_ =	sdelay $0x2  }
0xb8: {  	s31 =	sshll.u32 s1, $0xD;
	s1 =	sshrl.u32 s1, $0x2  }
0xb9: {  	s3 =	sand.u32 $0x4000, s31;
	s1 =	sadd.s32 s1, s30  }
0xba: {  	s0 =	sor.u32 s3, s0;
	s1 =	sshll.u32 s1, $0x11  }
0xbb: {  	s0 =	sor.u32 s1, s0  }
0xbc: {  	s0 =	sadd.s32 $0x8F2B, s0  }
0xbd: {  	[sflag:s0] =	ssyncadd.remote.s32 $0x1  }
0xbe: {  	_ =	sfence.sel $0xFFFF  }
0xbf: {  	[dreg:$0x0] =	wrdreg $0xFFFFFFFF;
	(pc) =	sbr.abs _section_cstart, $3  }
0xc0: {  	[dreg:$0x1] =	wrdreg $0xFFFFFFFF  }
0xc1: {  	_ =	task.clear_ibuf [dreg:s7], $0x2FFFF;
	_ =	strace $0x9FFFFFFF  }
0xc2: {  	(tm) =	ssettm $0x7FFFFFFF  }
0xc3: {  	_ =	shalt  }
tec
execute0_lowered:
.L_overlay_start_1:
0x0: {  	(tag) =	ssettag $0x1  }
0x1: {  	s1 =	srdreg.scid  }
0x2: {  	s3 =	rddreg [dreg:$0x0];
	s0 =	stileid.u32  }
0x3: {  	s5 =	rddreg [dreg:$0x1];
	s2 =	simm.s32 $0x0;
	s8 =	simm.s32 $0x80  }
0x4: {  	s26 =	simm.s32 $0x880;
	s9 =	simm.s32 $0x1080;
	s10 =	simm.s32 $0x1880  }
0x5: {  	s11 =	simm.s32 $0x2080;
	s12 =	simm.s32 $0x2880;
	s13 =	simm.s32 $0x3080  }
0x6: {  	s14 =	simm.s32 $0x3880;
	s15 =	simm.s32 $0x4080;
	s16 =	simm.s32 $0x4880  }
0x7: {  	s17 =	simm.s32 $0x5080;
	s18 =	simm.s32 $0x5880;
	s19 =	simm.s32 $0x6080  }
0x8: {  	s20 =	simm.s32 $0x6880;
	s21 =	simm.s32 $0x7080;
	s22 =	simm.s32 $0x7880  }
0x9: {  	s23 =	simm.s32 $0x8080;
	s24 =	simm.s32 $0x8880;
	s25 =	simm.s32 $0x9080  }
0xa: {  	s28 =	simm.s32 $0xA080;
	s29 =	simm.s32 $0xA880;
	s30 =	simm.s32 $0xB080  }
0xb: {  	s31 =	simm.s32 $0xB880;
	s1 =	sand.u32 $0x1, s1;
	[smem:$0x7FF] =	sst s2  }
0xc: {  	s4 =	sshll.u32 s0, $0x4;
	s6 =	sshll.u32 s1, $0x3;
	_ =	strace $0x80000047  }
0xd: {  	s1 =	ssub.s32 $0x2, s1;
	[dreg:$0x5] =	wrdreg s26;
	s4 =	sor.u32 s6, s4  }
0xe: {  	s7 =	sshrl.u32 s1, $0x1;
	s6 =	sadd.s32 s4, s5;
	s4 =	smul.u32 $0x300, s4  }
0xf: {  	s26 =	simm.s32 $0x9880;
	s1 =	ssub.s32 s1, s7;
	s6 =	sadd.s32 $0x3000, s6  }
0x10: {  	v2 =	vlaneseq.u32;
	s7 =	simm.s32 $0x2;
	[dreg:$0x3] =	wrdreg s6;
	s4 =	sadd.s32 s3, s4  }
0x11: {  	vm0 =	vmmov $0xffff;
	v1 =	vshrl.u32 v2, $0x3;
	s3 =	sadd.s32 $0x3200, s5;
	s6 =	smax.u32 s1, $0x1;
	s1 =	simm.s32 $0x1  }
0x12: {  	v0 =	vand.u32 $0x7, v2;
	v2 =	vor.u32 $0x8, v2;
	v1 =	vmul.u32 $0x8, v1;
	[dreg:$0x4] =	wrdreg s4;
	s4 =	sadd.s32 $0x3300, s5;
	s5 =	sadd.s32 $0x3400, s5  }
.LBB2_1:
0x13: {  	s0 =	rddreg [dreg:$0x3]  }
0x14: {  	[tilespmem:s2], [sflag:$0x2] =	stream.linear.gather [hbm4b:s0+s2], $0x40, $0x38;
	[tilespmem:$0xC080] =	vst v63  }
0x15: {  	_ =	swait.ge [sflag:s7], $0x40  }
0x16: {  	[sflag:s7] =	ssyncset.done $0x0  }
0x17: {  	s0 =	rddreg [dreg:$0x4];
	[sflag:s7] =	ssyncadd.s32 $0xFFFFFFC0  }
0x18: {  	[tilespmem:s8], [sflag:$0x2] =	stream.linear.gather [hbm4b:s0+s2], $0xC000, $0x38;
	[tilespmem:$0xC080] =	vst v63  }
0x19: {  	_ =	swait.ge [sflag:s7], $0xC000  }
0x1a: {  	[sflag:s7] =	ssyncset.done $0x0  }
0x1b: {  	[sflag:s7] =	ssyncadd.s32 $0xFFFF4000  }
0x1c: {  	v3 =	vld [tilespmem:$0x0];
	_ =	sdelay $0x4  }
0x1d: {  	v4 =	vshrl.u32 v3, $0x3  }
0x1e: {  	v4 =	vmul.u32 $0x30, v4  }
0x1f: {  	v3 =	vand.u32 $0x7, v3  }
0x20: {  	v3 =	vor.u32 v3, v4  }
0x21: {  	v4 =	vperm.xlane v3, v0;
	_ =	sdelay $0x1  }
0x22: {  	v4 =	vadd.s32 v1, v4;
	_ =	sdelay $0x3  }
0x23: {  	v3 =	vperm.xlane v3, v2  }
0x24: {  	[hbm4b:s3+s2] =	stream.indirect_vreg.scatter [tilespmem:s8], [sflag:$0x1], $0x80, v4, vm0, $0xb8;
	[tilespmem:$0xC080] =	vst v63  }
0x25: {  	s0 =	rddreg [dreg:$0x5];
	v3 =	vadd.s32 v1, v3  }
0x26: {  	[hbm4b:s4+s2] =	stream.indirect_vreg.scatter [tilespmem:s0], [sflag:$0x1], $0x80, v4, vm0, $0xb8;
	[tilespmem:$0xC080] =	vst v63  }
0x27: {  	_ = 	snop  }
0x28: {  	[hbm4b:s5+s2] =	stream.indirect_vreg.scatter [tilespmem:s9], [sflag:$0x1], $0x80, v4, vm0, $0xb8;
	[tilespmem:$0xC080] =	vst v63  }
0x29: {  	_ = 	snop  }
0x2a: {  	[hbm4b:s3+s2] =	stream.indirect_vreg.scatter [tilespmem:s10], [sflag:$0x1], $0x80, v3, vm0, $0xb8;
	[tilespmem:$0xC080] =	vst v63  }
0x2b: {  	_ = 	snop  }
0x2c: {  	[hbm4b:s4+s2] =	stream.indirect_vreg.scatter [tilespmem:s11], [sflag:$0x1], $0x80, v3, vm0, $0xb8;
	[tilespmem:$0xC080] =	vst v63  }
0x2d: {  	_ = 	snop  }
0x2e: {  	[hbm4b:s5+s2] =	stream.indirect_vreg.scatter [tilespmem:s12], [sflag:$0x1], $0x80, v3, vm0, $0xb8;
	[tilespmem:$0xC080] =	vst v63  }
0x2f: {  	v3 =	vld [tilespmem:$0x10];
	_ =	sdelay $0x4  }
0x30: {  	v61 =	vshrl.u32 v3, $0x3  }
0x31: {  	v4 =	vmul.u32 $0x30, v61  }
0x32: {  	v3 =	vand.u32 $0x7, v3  }
0x33: {  	v3 =	vor.u32 v3, v4  }
0x34: {  	v4 =	vperm.xlane v3, v0;
	_ =	sdelay $0x1  }
0x35: {  	v4 =	vadd.s32 v1, v4;
	_ =	sdelay $0x3  }
0x36: {  	v3 =	vperm.xlane v3, v2  }
0x37: {  	[hbm4b:s3+s2] =	stream.indirect_vreg.scatter [tilespmem:s13], [sflag:$0x1], $0x80, v4, vm0, $0xb8;
	[tilespmem:$0xC080] =	vst v63  }
0x38: {  	v3 =	vadd.s32 v1, v3  }
0x39: {  	[hbm4b:s4+s2] =	stream.indirect_vreg.scatter [tilespmem:s14], [sflag:$0x1], $0x80, v4, vm0, $0xb8;
	[tilespmem:$0xC080] =	vst v63  }
0x3a: {  	_ = 	snop  }
0x3b: {  	[hbm4b:s5+s2] =	stream.indirect_vreg.scatter [tilespmem:s15], [sflag:$0x1], $0x80, v4, vm0, $0xb8;
	[tilespmem:$0xC080] =	vst v63  }
0x3c: {  	_ = 	snop  }
0x3d: {  	[hbm4b:s3+s2] =	stream.indirect_vreg.scatter [tilespmem:s16], [sflag:$0x1], $0x80, v3, vm0, $0xb8;
	[tilespmem:$0xC080] =	vst v63  }
0x3e: {  	_ = 	snop  }
0x3f: {  	[hbm4b:s4+s2] =	stream.indirect_vreg.scatter [tilespmem:s17], [sflag:$0x1], $0x80, v3, vm0, $0xb8;
	[tilespmem:$0xC080] =	vst v63  }
0x40: {  	_ = 	snop  }
0x41: {  	[hbm4b:s5+s2] =	stream.indirect_vreg.scatter [tilespmem:s18], [sflag:$0x1], $0x80, v3, vm0, $0xb8;
	[tilespmem:$0xC080] =	vst v63  }
0x42: {  	v3 =	vld [tilespmem:$0x20];
	_ =	sdelay $0x4  }
0x43: {  	v62 =	vshrl.u32 v3, $0x3  }
0x44: {  	v4 =	vmul.u32 $0x30, v62  }
0x45: {  	v3 =	vand.u32 $0x7, v3  }
0x46: {  	v3 =	vor.u32 v3, v4  }
0x47: {  	v4 =	vperm.xlane v3, v0;
	_ =	sdelay $0x1  }
0x48: {  	v4 =	vadd.s32 v1, v4;
	_ =	sdelay $0x3  }
0x49: {  	v3 =	vperm.xlane v3, v2  }
0x4a: {  	[hbm4b:s3+s2] =	stream.indirect_vreg.scatter [tilespmem:s19], [sflag:$0x1], $0x80, v4, vm0, $0xb8;
	[tilespmem:$0xC080] =	vst v63  }
0x4b: {  	v3 =	vadd.s32 v1, v3  }
0x4c: {  	[hbm4b:s4+s2] =	stream.indirect_vreg.scatter [tilespmem:s20], [sflag:$0x1], $0x80, v4, vm0, $0xb8;
	[tilespmem:$0xC080] =	vst v63  }
0x4d: {  	_ = 	snop  }
0x4e: {  	[hbm4b:s5+s2] =	stream.indirect_vreg.scatter [tilespmem:s21], [sflag:$0x1], $0x80, v4, vm0, $0xb8;
	[tilespmem:$0xC080] =	vst v63  }
0x4f: {  	_ = 	snop  }
0x50: {  	[hbm4b:s3+s2] =	stream.indirect_vreg.scatter [tilespmem:s22], [sflag:$0x1], $0x80, v3, vm0, $0xb8;
	[tilespmem:$0xC080] =	vst v63  }
0x51: {  	_ = 	snop  }
0x52: {  	[hbm4b:s4+s2] =	stream.indirect_vreg.scatter [tilespmem:s23], [sflag:$0x1], $0x80, v3, vm0, $0xb8;
	[tilespmem:$0xC080] =	vst v63  }
0x53: {  	_ = 	snop  }
0x54: {  	[hbm4b:s5+s2] =	stream.indirect_vreg.scatter [tilespmem:s24], [sflag:$0x1], $0x80, v3, vm0, $0xb8;
	[tilespmem:$0xC080] =	vst v63  }
0x55: {  	v3 =	vld [tilespmem:$0x30];
	_ =	sdelay $0x4  }
0x56: {  	v63 =	vshrl.u32 v3, $0x3  }
0x57: {  	v4 =	vmul.u32 $0x30, v63  }
0x58: {  	v3 =	vand.u32 $0x7, v3  }
0x59: {  	v3 =	vor.u32 v3, v4  }
0x5a: {  	v4 =	vperm.xlane v3, v0;
	_ =	sdelay $0x1  }
0x5b: {  	v4 =	vadd.s32 v1, v4;
	_ =	sdelay $0x3  }
0x5c: {  	v3 =	vperm.xlane v3, v2  }
0x5d: {  	[hbm4b:s3+s2] =	stream.indirect_vreg.scatter [tilespmem:s25], [sflag:$0x1], $0x80, v4, vm0, $0xb8;
	[tilespmem:$0xC080] =	vst v63  }
0x5e: {  	v3 =	vadd.s32 v1, v3  }
0x5f: {  	[hbm4b:s4+s2] =	stream.indirect_vreg.scatter [tilespmem:s26], [sflag:$0x1], $0x80, v4, vm0, $0xb8;
	[tilespmem:$0xC080] =	vst v63  }
0x60: {  	_ = 	snop  }
0x61: {  	[hbm4b:s5+s2] =	stream.indirect_vreg.scatter [tilespmem:s28], [sflag:$0x1], $0x80, v4, vm0, $0xb8;
	[tilespmem:$0xC080] =	vst v63  }
0x62: {  	_ = 	snop  }
0x63: {  	[hbm4b:s3+s2] =	stream.indirect_vreg.scatter [tilespmem:s29], [sflag:$0x1], $0x80, v3, vm0, $0xb8;
	[tilespmem:$0xC080] =	vst v63  }
0x64: {  	p0 =	sne.s32 s6, $0x1  }
0x65: {  	[hbm4b:s4+s2] =	stream.indirect_vreg.scatter [tilespmem:s30], [sflag:$0x1], $0x80, v3, vm0, $0xb8;
	[tilespmem:$0xC080] =	vst v63  }
.Ltmp0:
0x66: {  	_ = 	snop;
	(pc) =	sbr.rel @p0 .LBB2_1-.Ltmp0, $4  }
0x67: {  	[hbm4b:s5+s2] =	stream.indirect_vreg.scatter [tilespmem:s31], [sflag:$0x1], $0x80, v3, vm0, $0xb8;
	[tilespmem:$0xC080] =	vst v63  }
0x68: {  	_ =	swait.ge [sflag:s1], $0xC000  }
0x69: {  	[sflag:s1] =	ssyncset.done $0x0  }
0x6a: {  	s6 =	sadd.s32 $0xFFFFFFFF, s6;
	[sflag:s1] =	ssyncadd.s32 $0xFFFF4000  }
0x6b: {  	_ =	sfence.sel $0x180000  }
0x6c: {  	[bflag:$0x0] =	sbarrier.arrive $0xFFFF  }
0x6d: {  	_ =	strace $0x90000047  }
0x6e: {  	s0 =	stileid.u32;
	[bflag:$0x2] =	sbarrier.arrive $0xFFFF  }
0x6f: {  	p0 =	sne.s32 s0, $0x0;
	s0 =	rddreg [dreg:$0x2]  }
0x70: {  	s0 =	sadd.s32 @!p0 $0x100000, s0  }
0x71: {  	[sflag:s0] =	ssyncadd.tile.s32 @!p0 $0x1;
	_ =	shalt  }
.Lfunc_end2:
_tile_overlayer_lowered:
.L_overlay_start_2:
0x72: {  	(tag) =	ssettag $0x2  }
0x73: {  	s0 =	rddreg [dreg:$0x0];
	s2 =	stileid.u32  }
0x74: {  	s1 =	rddreg [dreg:$0x1];
	p0 =	sne.s32 s2, $0x0  }
0x75: {  	s3 =	rddreg [dreg:$0x2];
	[bflag:$0x3] =	sbarrier.arrive $0xFFFF;
	s2 =	simm.s32 @!p0 $0x1C02  }
0x76: {  	[timem:s3], [sflag:s2] =	dma.local @!p0 [hbm:s0], s1  }
0x77: {  	s0 =	simm.s32 @!p0 $0x2  }
0x78: {  	_ =	swait.ge @!p0 [sflag:s0], s1  }
0x79: {  	s1 =	ssub.s32 @!p0 $0x0, s1;
	[sflag:s0] =	ssyncset.done @!p0 $0x0  }
0x7a: {  	[sflag:s0] =	ssyncadd.s32 @!p0 s1  }
0x7b: {  	[bflag:$0x3] =	sbarrier.arrive $0xFFFF  }
0x7c: {  	_ =	shalt  }

// kernel: kernel.13.cloned.1.call-start
scs
__scs_entry_jumppad:
0x0: {  	(pc) =	sbr.rel $0x88, $3  }
0x1: {  	(tag) =	ssettag $0x0;
	lr =	simm.s32 $0x1  }
0x2: {  	[smem:$0x3F92] =	sst lr;
	_ =	strace $0xD0000000  }
0x3: {  	_ = 	snop  }
0x4: {  	_ = 	snop  }
0x5: {  	_ = 	snop  }
0x6: {  	_ = 	snop  }
0x7: {  	_ = 	snop  }
__scs_overlays_trampoline_lowered:
0x8: {  	[smem:$0x3FA1] =	sst s0  }
0x9: {  	[smem:$0x3FA2] =	sst s1  }
0xa: {  	[smem:$0x3FA3] =	sst s2  }
0xb: {  	[smem:$0x3FA4] =	sst s3  }
0xc: {  	[smem:$0x3FA5] =	sst s4  }
0xd: {  	[smem:$0x3FA6] =	sst s5  }
0xe: {  	[smem:$0x3FA7] =	sst s6  }
0xf: {  	[smem:$0x3FA8] =	sst s7  }
0x10: {  	[smem:$0x3FA9] =	sst s8  }
0x11: {  	[smem:$0x3FAA] =	sst s9;
	s0 =	simm.s32 @!p0 $0x0  }
0x12: {  	s1 =	sld [smem:$0x3F90];
	s0 =	simm.s32 @p0 $0x1  }
0x13: {  	[smem:$0x3FAB] =	sst s0;
	s0 =	simm.s32 @!p1 $0x0  }
0x14: {  	s2 =	sld [smem:$0x3F8F];
	s0 =	simm.s32 @p1 $0x1  }
0x15: {  	[smem:$0x3FAC] =	sst s0;
	s0 =	simm.s32 @!p2 $0x0  }
0x16: {  	s3 =	sld [smem:$0x3FDB];
	s0 =	simm.s32 @p2 $0x1  }
0x17: {  	s4 =	simm.s32 $0x1BF5;
	[smem:$0x3FAE] =	sst s0  }
0x18: {  	s0 =	sld [smem:$0x3F91];
	_ =	swait.ge [sflag:s4], $0x0  }
0x19: {  	s7 =	sld [smem:$0x3F92]  }
0x1a: {  	s8 =	sadd.s32 $0xFFFFE003, lr  }
0x1b: {  	s9 =	sadd.s32 $0xFFFFFEF7, lr;
	s5 =	simm.s32 $0xFFFFFFFF;
	p2 =	slt.u32 s8, $0xFFFFF086  }
0x1c: {  	p1 =	slt.u32 s9, $0xF7A;
	s5 =	simm.s32 @!p2 $0x0  }
0x1d: {  	s5 =	simm.s32 @p1 $0x1;
	p0 =	seq.s32 s7, s2  }
0x1e: {  	s7 =	smul.u32 @!p0 $0xF7A, s2;
	p2 =	seq.s32 @!p0 s5, $0x0  }
0x1f: {  	s9 =	smul.u32 $0xF7A, s1;
	s8 =	simm.s32 @!p0 $0x1BF5;
	p2 =	por !p2, p0  }
0x20: {  	[sflag:s8] =	ssyncset.s32 @!p0 $0xFFFFF086;
	s6 =	sadd.s32 @!p0 s3, s7;
	s7 =	simm.s32 @!p0 $0x108  }
0x21: {  	s3 =	sadd.s32 s3, s9;
	s6 =	sadd.s32 @!p0 $0x88, s6;
	s7 =	simm.s32 @p2 $0x1082  }
0x22: {  	[simem:s7], [sflag:s8] =	dma.local @!p0 [hbm:s6], $0xF7A  }
0x23: {  	s9 =	sor.u32 $0xD0000000, s2;
	s6 =	simm.s32 $0x108;
	_ =	swait.ge @!p0 [sflag:s8], $0x0  }
0x24: {  	s3 =	sadd.s32 $0x88, s3;
	s6 =	simm.s32 @!p1 $0x1082;
	[sflag:s4] =	ssyncset.s32 $0xFFFFF086  }
0x25: {  	[simem:s6], [sflag:s4] =	dma.local [hbm:s3], $0xF7A  }
0x26: {  	[smem:$0x3F92] =	sst s1;
	(tag) =	ssettag s2;
	_ =	strace s9  }
0x27: {  	s1 =	sld [smem:$0x3FA2]  }
0x28: {  	s2 =	sld [smem:$0x3FA3]  }
0x29: {  	s4 =	sld [smem:$0x3FA5]  }
0x2a: {  	p0 =	seq.s32 s5, $0x0;
	s5 =	sld [smem:$0x3FA6]  }
0x2b: {  	s6 =	sld [smem:$0x3FA7]  }
0x2c: {  	s7 =	sld [smem:$0x3FA8]  }
0x2d: {  	s3 =	simm.s32 $0x108;
	s8 =	sld [smem:$0x3FA9]  }
0x2e: {  	s3 =	simm.s32 @!p0 $0x1082;
	s9 =	sld [smem:$0x3FAA]  }
0x2f: {  	lr =	sadd.s32 s0, s3;
	s0 =	sld [smem:$0x3FA1]  }
0x30: {  	s3 =	sld [smem:$0x3FA4]  }
0x31: {  	[smem:$0x3FAD] =	sst s10  }
0x32: {  	s10 =	sld [smem:$0x3FAB];
	_ =	sdelay $0x3  }
0x33: {  	p0 =	seq.s32 s10, $0x1;
	s10 =	sld [smem:$0x3FAD];
	_ =	sdelay $0x3  }
0x34: {  	[smem:$0x3FAD] =	sst s10  }
0x35: {  	s10 =	sld [smem:$0x3FAC];
	_ =	sdelay $0x3  }
0x36: {  	p1 =	seq.s32 s10, $0x1;
	s10 =	sld [smem:$0x3FAD];
	_ =	sdelay $0x3  }
0x37: {  	[smem:$0x3FAD] =	sst s10  }
0x38: {  	s10 =	sld [smem:$0x3FAE]  }
0x39: {  	_ = 	snop;
	(pc) =	sbr.ind lr, $3  }
0x3a: {  	_ = 	snop  }
0x3b: {  	_ = 	snop  }
0x3c: {  	p2 =	seq.s32 s10, $0x1;
	s10 =	sld [smem:$0x3FAD]  }
0x3d: {  	_ =	shalt  }
0x3e: {  	_ =	shalt  }
0x3f: {  	_ =	shalt  }
0x40: {  	_ =	shalt  }
0x41: {  	_ =	shalt  }
0x42: {  	_ =	shalt  }
0x43: {  	_ =	shalt  }
0x44: {  	_ =	shalt  }
0x45: {  	_ =	shalt  }
0x46: {  	_ =	shalt  }
0x47: {  	_ =	shalt  }
0x48: {  	_ =	shalt  }
0x49: {  	_ =	shalt  }
0x4a: {  	_ =	shalt  }
0x4b: {  	_ =	shalt  }
0x4c: {  	_ =	shalt  }
0x4d: {  	_ =	shalt  }
0x4e: {  	_ =	shalt  }
0x4f: {  	_ =	shalt  }
0x50: {  	_ =	shalt  }
0x51: {  	_ =	shalt  }
0x52: {  	_ =	shalt  }
0x53: {  	_ =	shalt  }
0x54: {  	_ =	shalt  }
0x55: {  	_ =	shalt  }
0x56: {  	_ =	shalt  }
0x57: {  	_ =	shalt  }
0x58: {  	_ =	shalt  }
0x59: {  	_ =	shalt  }
0x5a: {  	_ =	shalt  }
0x5b: {  	_ =	shalt  }
0x5c: {  	_ =	shalt  }
0x5d: {  	_ =	shalt  }
0x5e: {  	_ =	shalt  }
0x5f: {  	_ =	shalt  }
0x60: {  	_ =	shalt  }
0x61: {  	_ =	shalt  }
0x62: {  	_ =	shalt  }
0x63: {  	_ =	shalt  }
0x64: {  	_ =	shalt  }
0x65: {  	_ =	shalt  }
0x66: {  	_ =	shalt  }
0x67: {  	_ =	shalt  }
0x68: {  	_ =	shalt  }
0x69: {  	_ =	shalt  }
0x6a: {  	_ =	shalt  }
0x6b: {  	_ =	shalt  }
0x6c: {  	_ =	shalt  }
0x6d: {  	_ =	shalt  }
0x6e: {  	_ =	shalt  }
0x6f: {  	_ =	shalt  }
0x70: {  	_ =	shalt  }
0x71: {  	_ =	shalt  }
0x72: {  	_ =	shalt  }
0x73: {  	_ =	shalt  }
0x74: {  	_ =	shalt  }
0x75: {  	_ =	shalt  }
0x76: {  	_ =	shalt  }
0x77: {  	_ =	shalt  }
0x78: {  	_ =	shalt  }
0x79: {  	_ =	shalt  }
0x7a: {  	_ =	shalt  }
0x7b: {  	_ =	shalt  }
0x7c: {  	_ =	shalt  }
0x7d: {  	_ =	shalt  }
0x7e: {  	_ =	shalt  }
0x7f: {  	_ =	shalt  }
0x80: {  	_ =	shalt  }
0x81: {  	_ =	shalt  }
0x82: {  	_ =	shalt  }
0x83: {  	_ =	shalt  }
0x84: {  	_ =	shalt  }
0x85: {  	_ =	shalt  }
0x86: {  	_ =	shalt  }
0x87: {  	_ =	shalt  }
.Lfunc_end0:
.L_simem_size_0:
called_computation.1_lowered:
.L_overlay_start_0:
0x88: {  	s2 =	sld [smem:$0x3FD9]  }
0x89: {  	s3 =	sld [smem:$0x3FFE];
	_ =	sdelay $0x1  }
0x8a: {  	s1 =	srdreg.scid  }
0x8b: {  	s0 =	sand.u32 $0x1, s1  }
0x8c: {  	s16 =	sshll.u32 s0, $0xA;
	s2 =	sadd.s32 s3, s2  }
0x8d: {  	s2 =	sadd.s32 s2, s16  }
0x8e: {  	[smem:$0x3FB9] =	sst s2  }
0x8f: {  	_ = 	snop  }
0x90: {  	(tm) =	ssettm $0x1  }
0x91: {  	s17 =	sld [smem:$0x3FFB];
	_ =	sdelay $0x3  }
0x92: {  	_ =	strace s17  }
0x93: {  	s2 =	sld [smem:$0x3FFC];
	_ =	sdelay $0x3  }
0x94: {  	_ =	strace s2  }
0x95: {  	s2 =	sld [smem:$0x3FFD];
	_ =	sdelay $0x3  }
0x96: {  	_ =	strace s2  }
0x97: {  	_ =	strace $0x8FFFFFFF  }
0x98: {  	s18 =	sld [smem:$0x3FDB];
	_ =	sdelay $0x1  }
0x99: {  	s19 =	simm.s32 $_scs_section_size  }
0x9a: {  	s4 =	simm.s32 $_size__tile_overlayer_lowered;
	s5 =	simm.s32 $_tile_overlayer_lowered  }
0x9b: {  	s22 =	simm.s32 $0x1BFF;
	s21 =	sshll.u32 s5, $0x1;
	s2 =	sadd.s32 s19, s18  }
0x9c: {  	s6 =	simm.s32 $0x0;
	s20 =	sshll.u32 s4, $0x1;
	s4 =	sadd.s32 s21, s2  }
0x9d: {  	[timem:s6], [sflag:s22] =	dma.local [hbm:s4], s20  }
0x9e: {  	_ =	swait.ge [sflag:s22], s20  }
0x9f: {  	s3 =	ssub.s32 $0x0, s20;
	[sflag:s22] =	ssyncset.done $0x0  }
0xa0: {  	[sflag:s22] =	ssyncadd.s32 s3;
	_ =	sdelay $0x1  }
0xa1: {  	s23 =	simm.s32 $0x1B8B  }
0xa2: {  	_ =	swait.ge [sflag:s23], $0x1  }
0xa3: {  	[sflag:s23] =	ssyncset.done $0x0  }
0xa4: {  	s25 =	simm.s32 $0x1B8E;
	s24 =	sld [smem:$0x3FFE];
	[sflag:s23] =	ssyncadd.s32 $0xFFFFFFFF  }
0xa5: {  	s26 =	simm.s32 $execute0_lowered;
	[smem:$0x3FD2] =	sst s25  }
0xa6: {  	s4 =	sshll.u32 s26, $0x1;
	_ =	strace $0x80000049;
	[dreg:$0x1] =	wrdreg $0xFFFFFFFF  }
0xa7: {  	s28 =	simm.s32 $_size_execute0_lowered;
	s2 =	sadd.s32 s2, s4;
	[dreg:$0x0] =	wrdreg $0x0  }
0xa8: {  	s4 =	sshll.u32 s28, $0x1;
	[dreg:$0x2] =	wrdreg s2  }
0xa9: {  	[dreg:$0x3] =	wrdreg s4  }
0xaa: {  	[dreg:$0x4] =	wrdreg $0xC0  }
0xab: {  	_ =	task [dreg:s6], $0x5FFFF  }
0xac: {  	[dreg:$0x1] =	wrdreg $0xFFFFFFFF  }
0xad: {  	[dreg:$0x0] =	wrdreg $0x60  }
0xae: {  	[dreg:$0x2] =	wrdreg s24  }
0xaf: {  	[dreg:$0x3] =	wrdreg $0x9  }
0xb0: {  	_ =	task.clear_ibuf [dreg:s6], $0x4FFFF;
	_ =	strace $0x90000049  }
0xb1: {  	s29 =	simm.s32 $0x9;
	_ =	strace $0x8000004B  }
0xb2: {  	_ =	swait.ge [sflag:s29], $0x1  }
0xb3: {  	[sflag:s29] =	ssyncadd.s32 $0xFFFFFFFF  }
0xb4: {  	_ =	strace $0x9000004B  }
0xb5: {  	_ =	sfence  }
0xb6: {  	s30 =	sld [smem:$0x0];
	_ =	sdelay $0x2  }
0xb7: {  	s31 =	sshll.u32 s1, $0xD;
	s1 =	sshrl.u32 s1, $0x2  }
0xb8: {  	s3 =	sand.u32 $0x4000, s31;
	s1 =	sadd.s32 s1, s30  }
0xb9: {  	s0 =	sor.u32 s3, s0;
	s1 =	sshll.u32 s1, $0x11  }
0xba: {  	s0 =	sor.u32 s1, s0  }
0xbb: {  	s0 =	sadd.s32 $0x8F2B, s0  }
0xbc: {  	[sflag:s0] =	ssyncadd.remote.s32 $0x1  }
0xbd: {  	_ =	sfence.sel $0xFFFF  }
0xbe: {  	[dreg:$0x0] =	wrdreg $0xFFFFFFFF;
	(pc) =	sbr.abs _section_cstart, $3  }
0xbf: {  	[dreg:$0x1] =	wrdreg $0xFFFFFFFF  }
0xc0: {  	_ =	task.clear_ibuf [dreg:s6], $0x2FFFF;
	_ =	strace $0x9FFFFFFF  }
0xc1: {  	(tm) =	ssettm $0x7FFFFFFF  }
tec
execute0_lowered:
.L_overlay_start_1:
0x0: {  	(tag) =	ssettag $0x1  }
0x1: {  	s0 =	rddreg [dreg:$0x0]  }
0x2: {  	s2 =	srdreg.scid;
	s1 =	stileid.u32  }
0x3: {  	s8 =	simm.s32 $0x80;
	s26 =	simm.s32 $0x880;
	s9 =	simm.s32 $0x1080  }
0x4: {  	s10 =	simm.s32 $0x1880;
	s11 =	simm.s32 $0x2080;
	s12 =	simm.s32 $0x2880  }
0x5: {  	s13 =	simm.s32 $0x3080;
	s14 =	simm.s32 $0x3880;
	s15 =	simm.s32 $0x4080  }
0x6: {  	s16 =	simm.s32 $0x4880;
	s17 =	simm.s32 $0x5080;
	s18 =	simm.s32 $0x5880  }
0x7: {  	s19 =	simm.s32 $0x6080;
	s20 =	simm.s32 $0x6880;
	s21 =	simm.s32 $0x7080  }
0x8: {  	s22 =	simm.s32 $0x7880;
	s23 =	simm.s32 $0x8080;
	s24 =	simm.s32 $0x8880  }
0x9: {  	s28 =	simm.s32 $0xA080;
	s29 =	simm.s32 $0xA880;
	s30 =	simm.s32 $0xB080  }
0xa: {  	s31 =	simm.s32 $0xB880;
	s3 =	sand.u32 $0x1, s2;
	s2 =	simm.s32 $0x0  }
0xb: {  	s4 =	sshll.u32 s1, $0x4;
	s5 =	sshll.u32 s3, $0x3;
	[smem:$0x7FF] =	sst s2  }
0xc: {  	s6 =	ssub.s32 $0x2, s3;
	s3 =	sadd.s32 $0x3000, s0;
	s4 =	sor.u32 s5, s4  }
0xd: {  	_ =	strace $0x8000004A;
	s7 =	sshrl.u32 s6, $0x1;
	[dreg:$0x4] =	wrdreg s26  }
0xe: {  	s26 =	simm.s32 $0x9880;
	s5 =	smul.u32 $0x300, s4;
	s4 =	sadd.s32 s4, s0  }
0xf: {  	s6 =	ssub.s32 s6, s7;
	s7 =	simm.s32 $0x2;
	s4 =	sadd.s32 $0x63E00, s4  }
0x10: {  	v2 =	vlaneseq.u32;
	s6 =	smax.u32 s6, $0x1;
	s5 =	sadd.s32 s5, s0;
	[dreg:$0x2] =	wrdreg s4  }
0x11: {  	vm0 =	vmmov $0xffff;
	v1 =	vshrl.u32 v2, $0x3;
	s4 =	sadd.s32 $0x3100, s0;
	s25 =	sadd.s32 $0x64000, s5;
	s5 =	sadd.s32 $0x3200, s0  }
0x12: {  	v0 =	vand.u32 $0x7, v2;
	v2 =	vor.u32 $0x8, v2;
	v1 =	vmul.u32 $0x8, v1;
	s0 =	simm.s32 $0x1;
	[dreg:$0x3] =	wrdreg s25;
	s25 =	simm.s32 $0x9080  }
.LBB2_1:
0x13: {  	s1 =	rddreg [dreg:$0x2]  }
0x14: {  	[tilespmem:s2], [sflag:$0x2] =	stream.linear.gather [hbm4b:s1+s2], $0x40, $0x38;
	[tilespmem:$0xC080] =	vst v63  }
0x15: {  	_ =	swait.ge [sflag:s7], $0x40  }
0x16: {  	[sflag:s7] =	ssyncset.done $0x0  }
0x17: {  	[sflag:s7] =	ssyncadd.s32 $0xFFFFFFC0  }
0x18: {  	v3 =	vld [tilespmem:$0x0];
	_ =	sdelay $0x4  }
0x19: {  	v4 =	vshrl.u32 v3, $0x3  }
0x1a: {  	v4 =	vmul.u32 $0x30, v4  }
0x1b: {  	v3 =	vand.u32 $0x7, v3  }
0x1c: {  	v3 =	vor.u32 v3, v4  }
0x1d: {  	v4 =	vperm.xlane v3, v0;
	_ =	sdelay $0x1  }
0x1e: {  	v4 =	vadd.s32 v1, v4;
	_ =	sdelay $0x3  }
0x1f: {  	v3 =	vperm.xlane v3, v2  }
0x20: {  	[tilespmem:s8], [sflag:$0x1] =	stream.indirect_vreg.gather [hbm4b:s3+s2], $0x80, v4, vm0, $0xb8;
	[tilespmem:$0xC080] =	vst v63  }
0x21: {  	s1 =	rddreg [dreg:$0x4];
	v3 =	vadd.s32 v1, v3  }
0x22: {  	[tilespmem:s1], [sflag:$0x1] =	stream.indirect_vreg.gather [hbm4b:s4+s2], $0x80, v4, vm0, $0xb8;
	[tilespmem:$0xC080] =	vst v63  }
0x23: {  	_ = 	snop  }
0x24: {  	[tilespmem:s9], [sflag:$0x1] =	stream.indirect_vreg.gather [hbm4b:s5+s2], $0x80, v4, vm0, $0xb8;
	[tilespmem:$0xC080] =	vst v63  }
0x25: {  	_ = 	snop  }
0x26: {  	[tilespmem:s10], [sflag:$0x1] =	stream.indirect_vreg.gather [hbm4b:s3+s2], $0x80, v3, vm0, $0xb8;
	[tilespmem:$0xC080] =	vst v63  }
0x27: {  	_ = 	snop  }
0x28: {  	[tilespmem:s11], [sflag:$0x1] =	stream.indirect_vreg.gather [hbm4b:s4+s2], $0x80, v3, vm0, $0xb8;
	[tilespmem:$0xC080] =	vst v63  }
0x29: {  	_ = 	snop  }
0x2a: {  	[tilespmem:s12], [sflag:$0x1] =	stream.indirect_vreg.gather [hbm4b:s5+s2], $0x80, v3, vm0, $0xb8;
	[tilespmem:$0xC080] =	vst v63  }
0x2b: {  	v3 =	vld [tilespmem:$0x10];
	_ =	sdelay $0x4  }
0x2c: {  	v61 =	vshrl.u32 v3, $0x3  }
0x2d: {  	v4 =	vmul.u32 $0x30, v61  }
0x2e: {  	v3 =	vand.u32 $0x7, v3  }
0x2f: {  	v3 =	vor.u32 v3, v4  }
0x30: {  	v4 =	vperm.xlane v3, v0;
	_ =	sdelay $0x1  }
0x31: {  	v4 =	vadd.s32 v1, v4;
	_ =	sdelay $0x3  }
0x32: {  	v3 =	vperm.xlane v3, v2  }
0x33: {  	[tilespmem:s13], [sflag:$0x1] =	stream.indirect_vreg.gather [hbm4b:s3+s2], $0x80, v4, vm0, $0xb8;
	[tilespmem:$0xC080] =	vst v63  }
0x34: {  	v3 =	vadd.s32 v1, v3  }
0x35: {  	[tilespmem:s14], [sflag:$0x1] =	stream.indirect_vreg.gather [hbm4b:s4+s2], $0x80, v4, vm0, $0xb8;
	[tilespmem:$0xC080] =	vst v63  }
0x36: {  	_ = 	snop  }
0x37: {  	[tilespmem:s15], [sflag:$0x1] =	stream.indirect_vreg.gather [hbm4b:s5+s2], $0x80, v4, vm0, $0xb8;
	[tilespmem:$0xC080] =	vst v63  }
0x38: {  	_ = 	snop  }
0x39: {  	[tilespmem:s16], [sflag:$0x1] =	stream.indirect_vreg.gather [hbm4b:s3+s2], $0x80, v3, vm0, $0xb8;
	[tilespmem:$0xC080] =	vst v63  }
0x3a: {  	_ = 	snop  }
0x3b: {  	[tilespmem:s17], [sflag:$0x1] =	stream.indirect_vreg.gather [hbm4b:s4+s2], $0x80, v3, vm0, $0xb8;
	[tilespmem:$0xC080] =	vst v63  }
0x3c: {  	_ = 	snop  }
0x3d: {  	[tilespmem:s18], [sflag:$0x1] =	stream.indirect_vreg.gather [hbm4b:s5+s2], $0x80, v3, vm0, $0xb8;
	[tilespmem:$0xC080] =	vst v63  }
0x3e: {  	v3 =	vld [tilespmem:$0x20];
	_ =	sdelay $0x4  }
0x3f: {  	v62 =	vshrl.u32 v3, $0x3  }
0x40: {  	v4 =	vmul.u32 $0x30, v62  }
0x41: {  	v3 =	vand.u32 $0x7, v3  }
0x42: {  	v3 =	vor.u32 v3, v4  }
0x43: {  	v4 =	vperm.xlane v3, v0;
	_ =	sdelay $0x1  }
0x44: {  	v4 =	vadd.s32 v1, v4;
	_ =	sdelay $0x3  }
0x45: {  	v3 =	vperm.xlane v3, v2  }
0x46: {  	[tilespmem:s19], [sflag:$0x1] =	stream.indirect_vreg.gather [hbm4b:s3+s2], $0x80, v4, vm0, $0xb8;
	[tilespmem:$0xC080] =	vst v63  }
0x47: {  	v3 =	vadd.s32 v1, v3  }
0x48: {  	[tilespmem:s20], [sflag:$0x1] =	stream.indirect_vreg.gather [hbm4b:s4+s2], $0x80, v4, vm0, $0xb8;
	[tilespmem:$0xC080] =	vst v63  }
0x49: {  	_ = 	snop  }
0x4a: {  	[tilespmem:s21], [sflag:$0x1] =	stream.indirect_vreg.gather [hbm4b:s5+s2], $0x80, v4, vm0, $0xb8;
	[tilespmem:$0xC080] =	vst v63  }
0x4b: {  	_ = 	snop  }
0x4c: {  	[tilespmem:s22], [sflag:$0x1] =	stream.indirect_vreg.gather [hbm4b:s3+s2], $0x80, v3, vm0, $0xb8;
	[tilespmem:$0xC080] =	vst v63  }
0x4d: {  	_ = 	snop  }
0x4e: {  	[tilespmem:s23], [sflag:$0x1] =	stream.indirect_vreg.gather [hbm4b:s4+s2], $0x80, v3, vm0, $0xb8;
	[tilespmem:$0xC080] =	vst v63  }
0x4f: {  	_ = 	snop  }
0x50: {  	[tilespmem:s24], [sflag:$0x1] =	stream.indirect_vreg.gather [hbm4b:s5+s2], $0x80, v3, vm0, $0xb8;
	[tilespmem:$0xC080] =	vst v63  }
0x51: {  	v3 =	vld [tilespmem:$0x30];
	_ =	sdelay $0x4  }
0x52: {  	v63 =	vshrl.u32 v3, $0x3  }
0x53: {  	v4 =	vmul.u32 $0x30, v63  }
0x54: {  	v3 =	vand.u32 $0x7, v3  }
0x55: {  	v3 =	vor.u32 v3, v4  }
0x56: {  	v4 =	vperm.xlane v3, v0;
	_ =	sdelay $0x1  }
0x57: {  	v4 =	vadd.s32 v1, v4;
	_ =	sdelay $0x3  }
0x58: {  	v3 =	vperm.xlane v3, v2  }
0x59: {  	[tilespmem:s25], [sflag:$0x1] =	stream.indirect_vreg.gather [hbm4b:s3+s2], $0x80, v4, vm0, $0xb8;
	[tilespmem:$0xC080] =	vst v63  }
0x5a: {  	v3 =	vadd.s32 v1, v3  }
0x5b: {  	[tilespmem:s26], [sflag:$0x1] =	stream.indirect_vreg.gather [hbm4b:s4+s2], $0x80, v4, vm0, $0xb8;
	[tilespmem:$0xC080] =	vst v63  }
0x5c: {  	_ = 	snop  }
0x5d: {  	[tilespmem:s28], [sflag:$0x1] =	stream.indirect_vreg.gather [hbm4b:s5+s2], $0x80, v4, vm0, $0xb8;
	[tilespmem:$0xC080] =	vst v63  }
0x5e: {  	_ = 	snop  }
0x5f: {  	[tilespmem:s29], [sflag:$0x1] =	stream.indirect_vreg.gather [hbm4b:s3+s2], $0x80, v3, vm0, $0xb8;
	[tilespmem:$0xC080] =	vst v63  }
0x60: {  	_ = 	snop  }
0x61: {  	[tilespmem:s30], [sflag:$0x1] =	stream.indirect_vreg.gather [hbm4b:s4+s2], $0x80, v3, vm0, $0xb8;
	[tilespmem:$0xC080] =	vst v63  }
0x62: {  	_ = 	snop  }
0x63: {  	[tilespmem:s31], [sflag:$0x1] =	stream.indirect_vreg.gather [hbm4b:s5+s2], $0x80, v3, vm0, $0xb8;
	[tilespmem:$0xC080] =	vst v63  }
0x64: {  	_ =	swait.ge [sflag:s0], $0xC000  }
0x65: {  	p0 =	sne.s32 s6, $0x1;
	[sflag:s0] =	ssyncset.done $0x0  }
.Ltmp0:
0x66: {  	s1 =	rddreg [dreg:$0x3];
	[sflag:s0] =	ssyncadd.s32 $0xFFFF4000;
	(pc) =	sbr.rel @p0 .LBB2_1-.Ltmp0, $4  }
0x67: {  	[hbm4b:s1+s2] =	stream.linear.scatter [tilespmem:s8], [sflag:$0x2], $0xC000, $0x38;
	[tilespmem:$0xC080] =	vst v63  }
0x68: {  	_ =	swait.ge [sflag:s7], $0xC000  }
0x69: {  	[sflag:s7] =	ssyncset.done $0x0  }
0x6a: {  	s6 =	sadd.s32 $0xFFFFFFFF, s6;
	[sflag:s7] =	ssyncadd.s32 $0xFFFF4000  }
0x6b: {  	_ =	sfence.sel $0x180000  }
0x6c: {  	[bflag:$0x0] =	sbarrier.arrive $0xFFFF  }
0x6d: {  	_ =	strace $0x9000004A  }
0x6e: {  	s0 =	stileid.u32;
	[bflag:$0x2] =	sbarrier.arrive $0xFFFF  }
0x6f: {  	p0 =	sne.s32 s0, $0x0;
	s0 =	rddreg [dreg:$0x1]  }
0x70: {  	s0 =	sadd.s32 @!p0 $0x100000, s0  }
0x71: {  	[sflag:s0] =	ssyncadd.tile.s32 @!p0 $0x1;
	_ =	shalt  }
.Lfunc_end2:
_tile_overlayer_lowered:
.L_overlay_start_2:
0x72: {  	(tag) =	ssettag $0x2  }
0x73: {  	s0 =	rddreg [dreg:$0x0];
	s2 =	stileid.u32  }
0x74: {  	s1 =	rddreg [dreg:$0x1];
	p0 =	sne.s32 s2, $0x0  }
0x75: {  	s3 =	rddreg [dreg:$0x2];
	[bflag:$0x3] =	sbarrier.arrive $0xFFFF;
	s2 =	simm.s32 @!p0 $0x1C02  }
0x76: {  	[timem:s3], [sflag:s2] =	dma.local @!p0 [hbm:s0], s1  }
0x77: {  	s0 =	simm.s32 @!p0 $0x2  }
0x78: {  	_ =	swait.ge @!p0 [sflag:s0], s1  }
0x79: {  	s1 =	ssub.s32 @!p0 $0x0, s1;
	[sflag:s0] =	ssyncset.done @!p0 $0x0  }
0x7a: {  	[sflag:s0] =	ssyncadd.s32 @!p0 s1  }
0x7b: {  	[bflag:$0x3] =	sbarrier.arrive $0xFFFF  }
0x7c: {  	_ =	shalt  }

</sc_bundles>
